<compile_context>
chip_gen: v7x
topology: tpu7x:2x2x1
jax: 0.10.2.dev20260603
libtpu: 0.0.44.dev20260713+nightly
codegen_flags: <defaults>
</compile_context>

<pallas_src>
import math

import jax
import jax.numpy as jnp
from jax import lax
from jax.experimental import pallas as pl
from jax.experimental.pallas import tpu as pltpu
from jax.experimental.pallas import tpu_sc as plsc

VOCAB = 1000000
D = 128
BATCH = 4096
SEQ = 200

NC = 2
NS = 16
NW = NC * NS
B = BATCH * SEQ
B_PER_W = B // NW
CHUNK = 128
NCHUNK = B_PER_W // CHUNK
NG = 4
NSB = 2
LANES = 16
SCALE = math.sqrt(D)


def _emb_body(table_hbm, idx_hbm, out_hbm,
              idx_v, gbufs, sbufs, gsems, ssems):
    wid = lax.axis_index("s") * NC + lax.axis_index("c")
    base = wid * B_PER_W

    pltpu.sync_copy(idx_hbm.at[wid], idx_v)

    for g in range(NG):
        pltpu.async_copy(table_hbm.at[idx_v.at[g]], gbufs[g], gsems[g])

    def scale_chunk(src, dst):
        @plsc.parallel_loop(0, CHUNK, step=1, unroll=8)
        def _row(r):
            for c in range(D // LANES):
                sl = pl.ds(c * LANES, LANES)
                dst[r, sl] = src[r, sl] * SCALE

    def step(it, _):
        j0 = NG * it
        for k in range(NG):
            j = j0 + k
            gbuf, gsem = gbufs[k], gsems[k]
            sbuf, ssem = sbufs[k % NSB], ssems[k % NSB]
            pltpu.make_async_copy(table_hbm.at[idx_v.at[j]], gbuf, gsem).wait()

            @pl.when(j >= NSB)
            def _():
                pltpu.make_async_copy(
                    sbuf, out_hbm.at[pl.ds(base + (j - NSB) * CHUNK, CHUNK)],
                    ssem).wait()

            scale_chunk(gbuf, sbuf)
            pltpu.async_copy(
                sbuf, out_hbm.at[pl.ds(base + j * CHUNK, CHUNK)], ssem)

            @pl.when(j < NCHUNK - NG)
            def _():
                pltpu.async_copy(table_hbm.at[idx_v.at[j + NG]], gbuf, gsem)
        return 0

    lax.fori_loop(0, NCHUNK // NG, step, 0)

    for k in range(NSB):
        j = NCHUNK - NSB + k
        pltpu.make_async_copy(
            sbufs[j % NSB], out_hbm.at[pl.ds(base + j * CHUNK, CHUNK)],
            ssems[j % NSB]).wait()


@jax.jit
def kernel(x, table):
    mesh = plsc.VectorSubcoreMesh(core_axis_name="c", subcore_axis_name="s")
    fn = pl.kernel(
        _emb_body,
        out_type=jax.ShapeDtypeStruct((B, D), jnp.float32),
        mesh=mesh,
        scratch_types=[
            pltpu.VMEM((NCHUNK, CHUNK), jnp.int32),
            [pltpu.VMEM((CHUNK, D), jnp.float32) for _ in range(NG)],
            [pltpu.VMEM((CHUNK, D), jnp.float32) for _ in range(NSB)],
            [pltpu.SemaphoreType.DMA for _ in range(NG)],
            [pltpu.SemaphoreType.DMA for _ in range(NSB)],
        ],
        name="sc_embedding_lookup",
    )
    idx = x.reshape(NW, NCHUNK, CHUNK)
    out = fn(table, idx)
    return out.reshape(BATCH, SEQ, D)

# --- scband reference (transcript-rebuilt; emitter-appended) ---
"""Pipeline reference for scband-transformer-embeddings-10411000725902 (READ-ONLY COPY).

The authoritative reference and input builder live on the scoring server;
editing this copy changes nothing except your own understanding.
"""

import jax, jax.numpy as jnp
import numpy as np
import math

VOCAB = 1000000
D_MODEL = 128
BATCH = 4096
SEQ = 200

def setup_inputs(seed: int = 0) -> dict:
    key = jax.random.key(seed)
    k1, k2 = jax.random.split(key)
    x = jax.random.randint(k1, (BATCH, SEQ), 0, VOCAB, dtype=jnp.int64 if jax.config.jax_enable_x64 else jnp.int32).astype(jnp.int32)
    table = jax.random.normal(k2, (VOCAB, D_MODEL), dtype=jnp.float32) * 0.02
    return {"x": x, "table": table}

def reference(x, table):
    # Embedding lookup (gather) followed by sqrt(d_model) scaling,
    # faithful to nn.Embedding(x) * math.sqrt(d_model)
    emb = jnp.take(table, x, axis=0)
    return emb * math.sqrt(D_MODEL)

if __name__ == "__main__":
    import jax
    _d = setup_inputs()
    print(jax.jit(kernel)(*tuple(_d.values())))

</pallas_src>

<mosaic_0001>
#map = affine_map<(d0, d1) -> (0, 0)>
#map1 = affine_map<(d0, d1) -> (0, 0, 0)>
module attributes {stable_mosaic.version = 14 : i64} {
  func.func @sc_embedding_lookup(%arg0: i32, %arg1: i32, %arg2: memref<1000000x128xf32, #tpu.memory_space<hbm>>, %arg3: memref<32x200x128xi32, #tpu.memory_space<hbm>>, %arg4: memref<819200x128xf32, #tpu.memory_space<hbm>>, %arg5: memref<200x128xi32, #tpu.memory_space<vmem>>, %arg6: memref<128x128xf32, #tpu.memory_space<vmem>>, %arg7: memref<128x128xf32, #tpu.memory_space<vmem>>, %arg8: memref<128x128xf32, #tpu.memory_space<vmem>>, %arg9: memref<128x128xf32, #tpu.memory_space<vmem>>, %arg10: memref<128x128xf32, #tpu.memory_space<vmem>>, %arg11: memref<128x128xf32, #tpu.memory_space<vmem>>, %arg12: memref<!tpu.dma_semaphore, #tpu.memory_space<semaphore_mem>>, %arg13: memref<!tpu.dma_semaphore, #tpu.memory_space<semaphore_mem>>, %arg14: memref<!tpu.dma_semaphore, #tpu.memory_space<semaphore_mem>>, %arg15: memref<!tpu.dma_semaphore, #tpu.memory_space<semaphore_mem>>, %arg16: memref<!tpu.dma_semaphore, #tpu.memory_space<semaphore_mem>>, %arg17: memref<!tpu.dma_semaphore, #tpu.memory_space<semaphore_mem>>) attributes {dimension_semantics = [#tpu.dimension_semantics<core_parallel>, #tpu.dimension_semantics<subcore_parallel>], iteration_bounds = array<i64: 2, 16>, scalar_prefetch = 0 : i64, scratch_operands = 13 : i64, tpu.core_type = #tpu.core_type<sc_vector_subcore>, window_params = [{transform_indices = #map}, {transform_indices = #map1}, {transform_indices = #map}]} {
    %mul3A = arith.constant 2 : i32
    %mul3A_0 = arith.muli %arg1, %mul3A : i32
    %add3A = arith.addi %mul3A_0, %arg0 : i32
    %mul3A_1 = arith.constant 25600 : i32
    %mul3A_2 = arith.muli %add3A, %mul3A_1 : i32
    "tpu.region"() ({
      %run_scoped3A = tpu.sem_alloc : memref<!tpu.dma_semaphore, #tpu.memory_space<semaphore_mem>>
      %dma_start3A_47 = arith.constant 0 : i32
      %dma_start3A_48 = arith.constant 0 : i32
      %dma_start3A_49 = tpu.memref_slice %arg3[%add3A, %dma_start3A_47, %dma_start3A_48] : memref<32x200x128xi32, #tpu.memory_space<hbm>> -> memref<1x200x128xi32, #tpu.memory_space<hbm>>
      %dma_start3A_50 = tpu.memref_squeeze %dma_start3A_49 : memref<1x200x128xi32, #tpu.memory_space<hbm>> -> memref<200x128xi32, #tpu.memory_space<hbm>>
      %dma_start3A_51 = arith.constant 0 : i32
      %dma_start3A_52 = arith.constant 0 : i32
      %dma_start3A_53 = tpu.memref_slice %arg3[%add3A, %dma_start3A_51, %dma_start3A_52] : memref<32x200x128xi32, #tpu.memory_space<hbm>> -> memref<1x200x128xi32, #tpu.memory_space<hbm>>
      %dma_start3A_54 = tpu.memref_squeeze %dma_start3A_53 : memref<1x200x128xi32, #tpu.memory_space<hbm>> -> memref<200x128xi32, #tpu.memory_space<hbm>>
      tpu.enqueue_dma source(%dma_start3A_54 : memref<200x128xi32, #tpu.memory_space<hbm>>) target(%arg5 : memref<200x128xi32, #tpu.memory_space<vmem>>) target_semaphore(%run_scoped3A : memref<!tpu.dma_semaphore, #tpu.memory_space<semaphore_mem>>)
      %dma_wait3A_55 = arith.constant 0 : i32
      %dma_wait3A_56 = arith.constant 0 : i32
      %dma_wait3A_57 = tpu.memref_slice %arg3[%add3A, %dma_wait3A_55, %dma_wait3A_56] : memref<32x200x128xi32, #tpu.memory_space<hbm>> -> memref<1x200x128xi32, #tpu.memory_space<hbm>>
      %dma_wait3A_58 = tpu.memref_squeeze %dma_wait3A_57 : memref<1x200x128xi32, #tpu.memory_space<hbm>> -> memref<200x128xi32, #tpu.memory_space<hbm>>
      %dma_wait3A_59 = arith.constant 0 : i32
      %dma_wait3A_60 = arith.constant 0 : i32
      %dma_wait3A_61 = tpu.memref_slice %arg3[%add3A, %dma_wait3A_59, %dma_wait3A_60] : memref<32x200x128xi32, #tpu.memory_space<hbm>> -> memref<1x200x128xi32, #tpu.memory_space<hbm>>
      %dma_wait3A_62 = tpu.memref_squeeze %dma_wait3A_61 : memref<1x200x128xi32, #tpu.memory_space<hbm>> -> memref<200x128xi32, #tpu.memory_space<hbm>>
      tpu.wait_dma2 semaphore(%run_scoped3A : memref<!tpu.dma_semaphore, #tpu.memory_space<semaphore_mem>>) src(%dma_wait3A_62 : memref<200x128xi32, #tpu.memory_space<hbm>>) dst(%arg5 : memref<200x128xi32, #tpu.memory_space<vmem>>)
      tpu.yield
    }) : () -> ()
    %dma_start3A = arith.constant 0 : i32
    %dma_start3A_3 = arith.constant 0 : i32
    %dma_start3A_4 = tpu.memref_slice %arg5[%dma_start3A, %dma_start3A_3] : memref<200x128xi32, #tpu.memory_space<vmem>> -> memref<1x128xi32, #tpu.memory_space<vmem>>
    %dma_start3A_5 = tpu.memref_squeeze %dma_start3A_4 : memref<1x128xi32, #tpu.memory_space<vmem>> -> memref<128xi32, #tpu.memory_space<vmem>>
    %dma_start3A_6 = arith.constant 0 : i32
    %dma_start3A_7 = arith.constant 0 : i32
    %dma_start3A_8 = tpu.memref_slice %arg2[%dma_start3A_6, %dma_start3A_7] : memref<1000000x128xf32, #tpu.memory_space<hbm>> -> memref<1000000x128xf32, #tpu.memory_space<hbm>>
    tpu.enqueue_indirect_dma source(%dma_start3A_8 : memref<1000000x128xf32, #tpu.memory_space<hbm>>) target(%arg6 : memref<128x128xf32, #tpu.memory_space<vmem>>) offsets(%dma_start3A_5 : memref<128xi32, #tpu.memory_space<vmem>>) semaphore(%arg12 : memref<!tpu.dma_semaphore, #tpu.memory_space<semaphore_mem>>)
    %dma_start3A_9 = arith.constant 1 : i32
    %dma_start3A_10 = arith.constant 0 : i32
    %dma_start3A_11 = tpu.memref_slice %arg5[%dma_start3A_9, %dma_start3A_10] : memref<200x128xi32, #tpu.memory_space<vmem>> -> memref<1x128xi32, #tpu.memory_space<vmem>>
    %dma_start3A_12 = tpu.memref_squeeze %dma_start3A_11 : memref<1x128xi32, #tpu.memory_space<vmem>> -> memref<128xi32, #tpu.memory_space<vmem>>
    %dma_start3A_13 = arith.constant 0 : i32
    %dma_start3A_14 = arith.constant 0 : i32
    %dma_start3A_15 = tpu.memref_slice %arg2[%dma_start3A_13, %dma_start3A_14] : memref<1000000x128xf32, #tpu.memory_space<hbm>> -> memref<1000000x128xf32, #tpu.memory_space<hbm>>
    tpu.enqueue_indirect_dma source(%dma_start3A_15 : memref<1000000x128xf32, #tpu.memory_space<hbm>>) target(%arg7 : memref<128x128xf32, #tpu.memory_space<vmem>>) offsets(%dma_start3A_12 : memref<128xi32, #tpu.memory_space<vmem>>) semaphore(%arg13 : memref<!tpu.dma_semaphore, #tpu.memory_space<semaphore_mem>>)
    %dma_start3A_16 = arith.constant 2 : i32
    %dma_start3A_17 = arith.constant 0 : i32
    %dma_start3A_18 = tpu.memref_slice %arg5[%dma_start3A_16, %dma_start3A_17] : memref<200x128xi32, #tpu.memory_space<vmem>> -> memref<1x128xi32, #tpu.memory_space<vmem>>
    %dma_start3A_19 = tpu.memref_squeeze %dma_start3A_18 : memref<1x128xi32, #tpu.memory_space<vmem>> -> memref<128xi32, #tpu.memory_space<vmem>>
    %dma_start3A_20 = arith.constant 0 : i32
    %dma_start3A_21 = arith.constant 0 : i32
    %dma_start3A_22 = tpu.memref_slice %arg2[%dma_start3A_20, %dma_start3A_21] : memref<1000000x128xf32, #tpu.memory_space<hbm>> -> memref<1000000x128xf32, #tpu.memory_space<hbm>>
    tpu.enqueue_indirect_dma source(%dma_start3A_22 : memref<1000000x128xf32, #tpu.memory_space<hbm>>) target(%arg8 : memref<128x128xf32, #tpu.memory_space<vmem>>) offsets(%dma_start3A_19 : memref<128xi32, #tpu.memory_space<vmem>>) semaphore(%arg14 : memref<!tpu.dma_semaphore, #tpu.memory_space<semaphore_mem>>)
    %dma_start3A_23 = arith.constant 3 : i32
    %dma_start3A_24 = arith.constant 0 : i32
    %dma_start3A_25 = tpu.memref_slice %arg5[%dma_start3A_23, %dma_start3A_24] : memref<200x128xi32, #tpu.memory_space<vmem>> -> memref<1x128xi32, #tpu.memory_space<vmem>>
    %dma_start3A_26 = tpu.memref_squeeze %dma_start3A_25 : memref<1x128xi32, #tpu.memory_space<vmem>> -> memref<128xi32, #tpu.memory_space<vmem>>
    %dma_start3A_27 = arith.constant 0 : i32
    %dma_start3A_28 = arith.constant 0 : i32
    %dma_start3A_29 = tpu.memref_slice %arg2[%dma_start3A_27, %dma_start3A_28] : memref<1000000x128xf32, #tpu.memory_space<hbm>> -> memref<1000000x128xf32, #tpu.memory_space<hbm>>
    tpu.enqueue_indirect_dma source(%dma_start3A_29 : memref<1000000x128xf32, #tpu.memory_space<hbm>>) target(%arg9 : memref<128x128xf32, #tpu.memory_space<vmem>>) offsets(%dma_start3A_26 : memref<128xi32, #tpu.memory_space<vmem>>) semaphore(%arg15 : memref<!tpu.dma_semaphore, #tpu.memory_space<semaphore_mem>>)
    %scan3A = arith.constant 0 : i32
    %scan3A_30 = arith.constant 0 : i32
    %scan3A_31 = arith.constant 50 : i32
    %scan3A_32 = arith.addi %scan3A_30, %scan3A_31 : i32
    %scan3A_33 = arith.constant 1 : i32
    %scan3A_34 = scf.for %scan3A_47 = %scan3A_30 to %scan3A_32 step %scan3A_33 iter_args(%scan3A_48 = %scan3A) -> (i32)  : i32 {
      %mul3A_49 = arith.constant 4 : i32
      %mul3A_50 = arith.muli %mul3A_49, %scan3A_47 : i32
      %add3A_51 = arith.constant 0 : i32
      %add3A_52 = arith.addi %mul3A_50, %add3A_51 : i32
      %dma_wait3A_53 = arith.constant 0 : i32
      %dma_wait3A_54 = tpu.memref_slice %arg5[%add3A_52, %dma_wait3A_53] : memref<200x128xi32, #tpu.memory_space<vmem>> -> memref<1x128xi32, #tpu.memory_space<vmem>>
      %dma_wait3A_55 = tpu.memref_squeeze %dma_wait3A_54 : memref<1x128xi32, #tpu.memory_space<vmem>> -> memref<128xi32, #tpu.memory_space<vmem>>
      %dma_wait3A_56 = arith.constant 0 : i32
      %dma_wait3A_57 = arith.constant 0 : i32
      %dma_wait3A_58 = tpu.memref_slice %arg2[%dma_wait3A_56, %dma_wait3A_57] : memref<1000000x128xf32, #tpu.memory_space<hbm>> -> memref<1000000x128xf32, #tpu.memory_space<hbm>>
      tpu.wait_indirect_dma semaphore(%arg12 : memref<!tpu.dma_semaphore, #tpu.memory_space<semaphore_mem>>) src(%dma_wait3A_58 : memref<1000000x128xf32, #tpu.memory_space<hbm>>) dst(%arg6 : memref<128x128xf32, #tpu.memory_space<vmem>>)
      %ge3A = arith.constant 2 : i32
      %ge3A_59 = arith.cmpi sge, %add3A_52, %ge3A : i32
      %convert_element_type3A = arith.extui %ge3A_59 : i1 to i32
      %cond3A = arith.constant 0 : i32
      %cond3A_60 = arith.cmpi ne, %convert_element_type3A, %cond3A : i32
      scf.if %cond3A_60 {
        %sub3A = arith.constant 2 : i32
        %sub3A_159 = arith.subi %add3A_52, %sub3A : i32
        %mul3A_160 = arith.constant 128 : i32
        %mul3A_161 = arith.muli %sub3A_159, %mul3A_160 : i32
        %add3A_162 = arith.addi %mul3A_2, %mul3A_161 : i32
        %dma_wait3A_163 = arith.constant 0 : i32
        %dma_wait3A_164 = tpu.memref_slice %arg4[%add3A_162, %dma_wait3A_163] : memref<819200x128xf32, #tpu.memory_space<hbm>> -> memref<128x128xf32, #tpu.memory_space<hbm>>
        %dma_wait3A_165 = arith.constant 0 : i32
        %dma_wait3A_166 = tpu.memref_slice %arg4[%add3A_162, %dma_wait3A_165] : memref<819200x128xf32, #tpu.memory_space<hbm>> -> memref<128x128xf32, #tpu.memory_space<hbm>>
        tpu.wait_dma2 semaphore(%arg16 : memref<!tpu.dma_semaphore, #tpu.memory_space<semaphore_mem>>) src(%arg10 : memref<128x128xf32, #tpu.memory_space<vmem>>) dst(%dma_wait3A_166 : memref<128x128xf32, #tpu.memory_space<hbm>>)
      } else {
      }
      %parallel_loop3A = arith.constant 0 : i32
      %parallel_loop3A_61 = arith.constant 128 : i32
      %parallel_loop3A_62 = arith.constant 1 : i32
      scf.for %parallel_loop3A_159 = %parallel_loop3A to %parallel_loop3A_61 step %parallel_loop3A_62  : i32 {
        %parallel_loop3A_160 = arith.index_cast %parallel_loop3A_159 : i32 to index
        %parallel_loop3A_161 = arith.constant 0 : index
        %parallel_loop3A_162 = tpu.vector_load %arg6[%parallel_loop3A_160, %parallel_loop3A_161] {strides = array<i32>} : memref<128x128xf32, #tpu.memory_space<vmem>>, vector<1x16xf32>,
        %parallel_loop3A_163 = vector.shape_cast %parallel_loop3A_162 : vector<1x16xf32> to vector<16xf32>
        %parallel_loop3A_164 = arith.constant 11.3137083 : f32
        %parallel_loop3A_165 = vector.broadcast %parallel_loop3A_164 : f32 to vector<16xf32>
        %parallel_loop3A_166 = arith.mulf %parallel_loop3A_163, %parallel_loop3A_165 : vector<16xf32>
        %parallel_loop3A_167 = arith.index_cast %parallel_loop3A_159 : i32 to index
        %parallel_loop3A_168 = arith.constant 0 : index
        %parallel_loop3A_169 = tpu.vector_load %arg10[%parallel_loop3A_167, %parallel_loop3A_168] {strides = array<i32>} : memref<128x128xf32, #tpu.memory_space<vmem>>, vector<1x16xf32>,
        %parallel_loop3A_170 = vector.shape_cast %parallel_loop3A_169 : vector<1x16xf32> to vector<16xf32>
        %parallel_loop3A_171 = vector.shape_cast %parallel_loop3A_166 : vector<16xf32> to vector<1x16xf32>
        tpu.vector_store %arg10[%parallel_loop3A_167, %parallel_loop3A_168], %parallel_loop3A_171 {strides = array<i32>} : memref<128x128xf32, #tpu.memory_space<vmem>>, vector<1x16xf32>,
        %parallel_loop3A_172 = arith.index_cast %parallel_loop3A_159 : i32 to index
        %parallel_loop3A_173 = arith.constant 16 : index
        %parallel_loop3A_174 = tpu.vector_load %arg6[%parallel_loop3A_172, %parallel_loop3A_173] {strides = array<i32>} : memref<128x128xf32, #tpu.memory_space<vmem>>, vector<1x16xf32>,
        %parallel_loop3A_175 = vector.shape_cast %parallel_loop3A_174 : vector<1x16xf32> to vector<16xf32>
        %parallel_loop3A_176 = arith.constant 11.3137083 : f32
        %parallel_loop3A_177 = vector.broadcast %parallel_loop3A_176 : f32 to vector<16xf32>
        %parallel_loop3A_178 = arith.mulf %parallel_loop3A_175, %parallel_loop3A_177 : vector<16xf32>
        %parallel_loop3A_179 = arith.index_cast %parallel_loop3A_159 : i32 to index
        %parallel_loop3A_180 = arith.constant 16 : index
        %parallel_loop3A_181 = tpu.vector_load %arg10[%parallel_loop3A_179, %parallel_loop3A_180] {strides = array<i32>} : memref<128x128xf32, #tpu.memory_space<vmem>>, vector<1x16xf32>,
        %parallel_loop3A_182 = vector.shape_cast %parallel_loop3A_181 : vector<1x16xf32> to vector<16xf32>
        %parallel_loop3A_183 = vector.shape_cast %parallel_loop3A_178 : vector<16xf32> to vector<1x16xf32>
        tpu.vector_store %arg10[%parallel_loop3A_179, %parallel_loop3A_180], %parallel_loop3A_183 {strides = array<i32>} : memref<128x128xf32, #tpu.memory_space<vmem>>, vector<1x16xf32>,
        %parallel_loop3A_184 = arith.index_cast %parallel_loop3A_159 : i32 to index
        %parallel_loop3A_185 = arith.constant 32 : index
        %parallel_loop3A_186 = tpu.vector_load %arg6[%parallel_loop3A_184, %parallel_loop3A_185] {strides = array<i32>} : memref<128x128xf32, #tpu.memory_space<vmem>>, vector<1x16xf32>,
        %parallel_loop3A_187 = vector.shape_cast %parallel_loop3A_186 : vector<1x16xf32> to vector<16xf32>
        %parallel_loop3A_188 = arith.constant 11.3137083 : f32
        %parallel_loop3A_189 = vector.broadcast %parallel_loop3A_188 : f32 to vector<16xf32>
        %parallel_loop3A_190 = arith.mulf %parallel_loop3A_187, %parallel_loop3A_189 : vector<16xf32>
        %parallel_loop3A_191 = arith.index_cast %parallel_loop3A_159 : i32 to index
        %parallel_loop3A_192 = arith.constant 32 : index
        %parallel_loop3A_193 = tpu.vector_load %arg10[%parallel_loop3A_191, %parallel_loop3A_192] {strides = array<i32>} : memref<128x128xf32, #tpu.memory_space<vmem>>, vector<1x16xf32>,
        %parallel_loop3A_194 = vector.shape_cast %parallel_loop3A_193 : vector<1x16xf32> to vector<16xf32>
        %parallel_loop3A_195 = vector.shape_cast %parallel_loop3A_190 : vector<16xf32> to vector<1x16xf32>
        tpu.vector_store %arg10[%parallel_loop3A_191, %parallel_loop3A_192], %parallel_loop3A_195 {strides = array<i32>} : memref<128x128xf32, #tpu.memory_space<vmem>>, vector<1x16xf32>,
        %parallel_loop3A_196 = arith.index_cast %parallel_loop3A_159 : i32 to index
        %parallel_loop3A_197 = arith.constant 48 : index
        %parallel_loop3A_198 = tpu.vector_load %arg6[%parallel_loop3A_196, %parallel_loop3A_197] {strides = array<i32>} : memref<128x128xf32, #tpu.memory_space<vmem>>, vector<1x16xf32>,
        %parallel_loop3A_199 = vector.shape_cast %parallel_loop3A_198 : vector<1x16xf32> to vector<16xf32>
        %parallel_loop3A_200 = arith.constant 11.3137083 : f32
        %parallel_loop3A_201 = vector.broadcast %parallel_loop3A_200 : f32 to vector<16xf32>
        %parallel_loop3A_202 = arith.mulf %parallel_loop3A_199, %parallel_loop3A_201 : vector<16xf32>
        %parallel_loop3A_203 = arith.index_cast %parallel_loop3A_159 : i32 to index
        %parallel_loop3A_204 = arith.constant 48 : index
        %parallel_loop3A_205 = tpu.vector_load %arg10[%parallel_loop3A_203, %parallel_loop3A_204] {strides = array<i32>} : memref<128x128xf32, #tpu.memory_space<vmem>>, vector<1x16xf32>,
        %parallel_loop3A_206 = vector.shape_cast %parallel_loop3A_205 : vector<1x16xf32> to vector<16xf32>
        %parallel_loop3A_207 = vector.shape_cast %parallel_loop3A_202 : vector<16xf32> to vector<1x16xf32>
        tpu.vector_store %arg10[%parallel_loop3A_203, %parallel_loop3A_204], %parallel_loop3A_207 {strides = array<i32>} : memref<128x128xf32, #tpu.memory_space<vmem>>, vector<1x16xf32>,
        %parallel_loop3A_208 = arith.index_cast %parallel_loop3A_159 : i32 to index
        %parallel_loop3A_209 = arith.constant 64 : index
        %parallel_loop3A_210 = tpu.vector_load %arg6[%parallel_loop3A_208, %parallel_loop3A_209] {strides = array<i32>} : memref<128x128xf32, #tpu.memory_space<vmem>>, vector<1x16xf32>,
        %parallel_loop3A_211 = vector.shape_cast %parallel_loop3A_210 : vector<1x16xf32> to vector<16xf32>
        %parallel_loop3A_212 = arith.constant 11.3137083 : f32
        %parallel_loop3A_213 = vector.broadcast %parallel_loop3A_212 : f32 to vector<16xf32>
        %parallel_loop3A_214 = arith.mulf %parallel_loop3A_211, %parallel_loop3A_213 : vector<16xf32>
        %parallel_loop3A_215 = arith.index_cast %parallel_loop3A_159 : i32 to index
        %parallel_loop3A_216 = arith.constant 64 : index
        %parallel_loop3A_217 = tpu.vector_load %arg10[%parallel_loop3A_215, %parallel_loop3A_216] {strides = array<i32>} : memref<128x128xf32, #tpu.memory_space<vmem>>, vector<1x16xf32>,
        %parallel_loop3A_218 = vector.shape_cast %parallel_loop3A_217 : vector<1x16xf32> to vector<16xf32>
        %parallel_loop3A_219 = vector.shape_cast %parallel_loop3A_214 : vector<16xf32> to vector<1x16xf32>
        tpu.vector_store %arg10[%parallel_loop3A_215, %parallel_loop3A_216], %parallel_loop3A_219 {strides = array<i32>} : memref<128x128xf32, #tpu.memory_space<vmem>>, vector<1x16xf32>,
        %parallel_loop3A_220 = arith.index_cast %parallel_loop3A_159 : i32 to index
        %parallel_loop3A_221 = arith.constant 80 : index
        %parallel_loop3A_222 = tpu.vector_load %arg6[%parallel_loop3A_220, %parallel_loop3A_221] {strides = array<i32>} : memref<128x128xf32, #tpu.memory_space<vmem>>, vector<1x16xf32>,
        %parallel_loop3A_223 = vector.shape_cast %parallel_loop3A_222 : vector<1x16xf32> to vector<16xf32>
        %parallel_loop3A_224 = arith.constant 11.3137083 : f32
        %parallel_loop3A_225 = vector.broadcast %parallel_loop3A_224 : f32 to vector<16xf32>
        %parallel_loop3A_226 = arith.mulf %parallel_loop3A_223, %parallel_loop3A_225 : vector<16xf32>
        %parallel_loop3A_227 = arith.index_cast %parallel_loop3A_159 : i32 to index
        %parallel_loop3A_228 = arith.constant 80 : index
        %parallel_loop3A_229 = tpu.vector_load %arg10[%parallel_loop3A_227, %parallel_loop3A_228] {strides = array<i32>} : memref<128x128xf32, #tpu.memory_space<vmem>>, vector<1x16xf32>,
        %parallel_loop3A_230 = vector.shape_cast %parallel_loop3A_229 : vector<1x16xf32> to vector<16xf32>
        %parallel_loop3A_231 = vector.shape_cast %parallel_loop3A_226 : vector<16xf32> to vector<1x16xf32>
        tpu.vector_store %arg10[%parallel_loop3A_227, %parallel_loop3A_228], %parallel_loop3A_231 {strides = array<i32>} : memref<128x128xf32, #tpu.memory_space<vmem>>, vector<1x16xf32>,
        %parallel_loop3A_232 = arith.index_cast %parallel_loop3A_159 : i32 to index
        %parallel_loop3A_233 = arith.constant 96 : index
        %parallel_loop3A_234 = tpu.vector_load %arg6[%parallel_loop3A_232, %parallel_loop3A_233] {strides = array<i32>} : memref<128x128xf32, #tpu.memory_space<vmem>>, vector<1x16xf32>,
        %parallel_loop3A_235 = vector.shape_cast %parallel_loop3A_234 : vector<1x16xf32> to vector<16xf32>
        %parallel_loop3A_236 = arith.constant 11.3137083 : f32
        %parallel_loop3A_237 = vector.broadcast %parallel_loop3A_236 : f32 to vector<16xf32>
        %parallel_loop3A_238 = arith.mulf %parallel_loop3A_235, %parallel_loop3A_237 : vector<16xf32>
        %parallel_loop3A_239 = arith.index_cast %parallel_loop3A_159 : i32 to index
        %parallel_loop3A_240 = arith.constant 96 : index
        %parallel_loop3A_241 = tpu.vector_load %arg10[%parallel_loop3A_239, %parallel_loop3A_240] {strides = array<i32>} : memref<128x128xf32, #tpu.memory_space<vmem>>, vector<1x16xf32>,
        %parallel_loop3A_242 = vector.shape_cast %parallel_loop3A_241 : vector<1x16xf32> to vector<16xf32>
        %parallel_loop3A_243 = vector.shape_cast %parallel_loop3A_238 : vector<16xf32> to vector<1x16xf32>
        tpu.vector_store %arg10[%parallel_loop3A_239, %parallel_loop3A_240], %parallel_loop3A_243 {strides = array<i32>} : memref<128x128xf32, #tpu.memory_space<vmem>>, vector<1x16xf32>,
        %parallel_loop3A_244 = arith.index_cast %parallel_loop3A_159 : i32 to index
        %parallel_loop3A_245 = arith.constant 112 : index
        %parallel_loop3A_246 = tpu.vector_load %arg6[%parallel_loop3A_244, %parallel_loop3A_245] {strides = array<i32>} : memref<128x128xf32, #tpu.memory_space<vmem>>, vector<1x16xf32>,
        %parallel_loop3A_247 = vector.shape_cast %parallel_loop3A_246 : vector<1x16xf32> to vector<16xf32>
        %parallel_loop3A_248 = arith.constant 11.3137083 : f32
        %parallel_loop3A_249 = vector.broadcast %parallel_loop3A_248 : f32 to vector<16xf32>
        %parallel_loop3A_250 = arith.mulf %parallel_loop3A_247, %parallel_loop3A_249 : vector<16xf32>
        %parallel_loop3A_251 = arith.index_cast %parallel_loop3A_159 : i32 to index
        %parallel_loop3A_252 = arith.constant 112 : index
        %parallel_loop3A_253 = tpu.vector_load %arg10[%parallel_loop3A_251, %parallel_loop3A_252] {strides = array<i32>} : memref<128x128xf32, #tpu.memory_space<vmem>>, vector<1x16xf32>,
        %parallel_loop3A_254 = vector.shape_cast %parallel_loop3A_253 : vector<1x16xf32> to vector<16xf32>
        %parallel_loop3A_255 = vector.shape_cast %parallel_loop3A_250 : vector<16xf32> to vector<1x16xf32>
        tpu.vector_store %arg10[%parallel_loop3A_251, %parallel_loop3A_252], %parallel_loop3A_255 {strides = array<i32>} : memref<128x128xf32, #tpu.memory_space<vmem>>, vector<1x16xf32>,
      } {sc.loop_unroll_factor = 8 : i64, sc.parallel_access}
      %mul3A_63 = arith.constant 128 : i32
      %mul3A_64 = arith.muli %add3A_52, %mul3A_63 : i32
      %add3A_65 = arith.addi %mul3A_2, %mul3A_64 : i32
      %dma_start3A_66 = arith.constant 0 : i32
      %dma_start3A_67 = tpu.memref_slice %arg4[%add3A_65, %dma_start3A_66] : memref<819200x128xf32, #tpu.memory_space<hbm>> -> memref<128x128xf32, #tpu.memory_space<hbm>>
      %dma_start3A_68 = arith.constant 0 : i32
      %dma_start3A_69 = tpu.memref_slice %arg4[%add3A_65, %dma_start3A_68] : memref<819200x128xf32, #tpu.memory_space<hbm>> -> memref<128x128xf32, #tpu.memory_space<hbm>>
      tpu.enqueue_dma source(%arg10 : memref<128x128xf32, #tpu.memory_space<vmem>>) target(%dma_start3A_69 : memref<128x128xf32, #tpu.memory_space<hbm>>) target_semaphore(%arg16 : memref<!tpu.dma_semaphore, #tpu.memory_space<semaphore_mem>>)
      %lt3A = arith.constant 196 : i32
      %lt3A_70 = arith.cmpi slt, %add3A_52, %lt3A : i32
      %convert_element_type3A_71 = arith.extui %lt3A_70 : i1 to i32
      %cond3A_72 = arith.constant 0 : i32
      %cond3A_73 = arith.cmpi ne, %convert_element_type3A_71, %cond3A_72 : i32
      scf.if %cond3A_73 {
        %add3A_159 = arith.constant 4 : i32
        %add3A_160 = arith.addi %add3A_52, %add3A_159 : i32
        %dma_start3A_161 = arith.constant 0 : i32
        %dma_start3A_162 = tpu.memref_slice %arg5[%add3A_160, %dma_start3A_161] : memref<200x128xi32, #tpu.memory_space<vmem>> -> memref<1x128xi32, #tpu.memory_space<vmem>>
        %dma_start3A_163 = tpu.memref_squeeze %dma_start3A_162 : memref<1x128xi32, #tpu.memory_space<vmem>> -> memref<128xi32, #tpu.memory_space<vmem>>
        %dma_start3A_164 = arith.constant 0 : i32
        %dma_start3A_165 = arith.constant 0 : i32
        %dma_start3A_166 = tpu.memref_slice %arg2[%dma_start3A_164, %dma_start3A_165] : memref<1000000x128xf32, #tpu.memory_space<hbm>> -> memref<1000000x128xf32, #tpu.memory_space<hbm>>
        tpu.enqueue_indirect_dma source(%dma_start3A_166 : memref<1000000x128xf32, #tpu.memory_space<hbm>>) target(%arg6 : memref<128x128xf32, #tpu.memory_space<vmem>>) offsets(%dma_start3A_163 : memref<128xi32, #tpu.memory_space<vmem>>) semaphore(%arg12 : memref<!tpu.dma_semaphore, #tpu.memory_space<semaphore_mem>>)
      } else {
      }
      %add3A_74 = arith.constant 1 : i32
      %add3A_75 = arith.addi %mul3A_50, %add3A_74 : i32
      %dma_wait3A_76 = arith.constant 0 : i32
      %dma_wait3A_77 = tpu.memref_slice %arg5[%add3A_75, %dma_wait3A_76] : memref<200x128xi32, #tpu.memory_space<vmem>> -> memref<1x128xi32, #tpu.memory_space<vmem>>
      %dma_wait3A_78 = tpu.memref_squeeze %dma_wait3A_77 : memref<1x128xi32, #tpu.memory_space<vmem>> -> memref<128xi32, #tpu.memory_space<vmem>>
      %dma_wait3A_79 = arith.constant 0 : i32
      %dma_wait3A_80 = arith.constant 0 : i32
      %dma_wait3A_81 = tpu.memref_slice %arg2[%dma_wait3A_79, %dma_wait3A_80] : memref<1000000x128xf32, #tpu.memory_space<hbm>> -> memref<1000000x128xf32, #tpu.memory_space<hbm>>
      tpu.wait_indirect_dma semaphore(%arg13 : memref<!tpu.dma_semaphore, #tpu.memory_space<semaphore_mem>>) src(%dma_wait3A_81 : memref<1000000x128xf32, #tpu.memory_space<hbm>>) dst(%arg7 : memref<128x128xf32, #tpu.memory_space<vmem>>)
      %ge3A_82 = arith.constant 2 : i32
      %ge3A_83 = arith.cmpi sge, %add3A_75, %ge3A_82 : i32
      %convert_element_type3A_84 = arith.extui %ge3A_83 : i1 to i32
      %cond3A_85 = arith.constant 0 : i32
      %cond3A_86 = arith.cmpi ne, %convert_element_type3A_84, %cond3A_85 : i32
      scf.if %cond3A_86 {
        %sub3A = arith.constant 2 : i32
        %sub3A_159 = arith.subi %add3A_75, %sub3A : i32
        %mul3A_160 = arith.constant 128 : i32
        %mul3A_161 = arith.muli %sub3A_159, %mul3A_160 : i32
        %add3A_162 = arith.addi %mul3A_2, %mul3A_161 : i32
        %dma_wait3A_163 = arith.constant 0 : i32
        %dma_wait3A_164 = tpu.memref_slice %arg4[%add3A_162, %dma_wait3A_163] : memref<819200x128xf32, #tpu.memory_space<hbm>> -> memref<128x128xf32, #tpu.memory_space<hbm>>
        %dma_wait3A_165 = arith.constant 0 : i32
        %dma_wait3A_166 = tpu.memref_slice %arg4[%add3A_162, %dma_wait3A_165] : memref<819200x128xf32, #tpu.memory_space<hbm>> -> memref<128x128xf32, #tpu.memory_space<hbm>>
        tpu.wait_dma2 semaphore(%arg17 : memref<!tpu.dma_semaphore, #tpu.memory_space<semaphore_mem>>) src(%arg11 : memref<128x128xf32, #tpu.memory_space<vmem>>) dst(%dma_wait3A_166 : memref<128x128xf32, #tpu.memory_space<hbm>>)
      } else {
      }
      %parallel_loop3A_87 = arith.constant 0 : i32
      %parallel_loop3A_88 = arith.constant 128 : i32
      %parallel_loop3A_89 = arith.constant 1 : i32
      scf.for %parallel_loop3A_159 = %parallel_loop3A_87 to %parallel_loop3A_88 step %parallel_loop3A_89  : i32 {
        %parallel_loop3A_160 = arith.index_cast %parallel_loop3A_159 : i32 to index
        %parallel_loop3A_161 = arith.constant 0 : index
        %parallel_loop3A_162 = tpu.vector_load %arg7[%parallel_loop3A_160, %parallel_loop3A_161] {strides = array<i32>} : memref<128x128xf32, #tpu.memory_space<vmem>>, vector<1x16xf32>,
        %parallel_loop3A_163 = vector.shape_cast %parallel_loop3A_162 : vector<1x16xf32> to vector<16xf32>
        %parallel_loop3A_164 = arith.constant 11.3137083 : f32
        %parallel_loop3A_165 = vector.broadcast %parallel_loop3A_164 : f32 to vector<16xf32>
        %parallel_loop3A_166 = arith.mulf %parallel_loop3A_163, %parallel_loop3A_165 : vector<16xf32>
        %parallel_loop3A_167 = arith.index_cast %parallel_loop3A_159 : i32 to index
        %parallel_loop3A_168 = arith.constant 0 : index
        %parallel_loop3A_169 = tpu.vector_load %arg11[%parallel_loop3A_167, %parallel_loop3A_168] {strides = array<i32>} : memref<128x128xf32, #tpu.memory_space<vmem>>, vector<1x16xf32>,
        %parallel_loop3A_170 = vector.shape_cast %parallel_loop3A_169 : vector<1x16xf32> to vector<16xf32>
        %parallel_loop3A_171 = vector.shape_cast %parallel_loop3A_166 : vector<16xf32> to vector<1x16xf32>
        tpu.vector_store %arg11[%parallel_loop3A_167, %parallel_loop3A_168], %parallel_loop3A_171 {strides = array<i32>} : memref<128x128xf32, #tpu.memory_space<vmem>>, vector<1x16xf32>,
        %parallel_loop3A_172 = arith.index_cast %parallel_loop3A_159 : i32 to index
        %parallel_loop3A_173 = arith.constant 16 : index
        %parallel_loop3A_174 = tpu.vector_load %arg7[%parallel_loop3A_172, %parallel_loop3A_173] {strides = array<i32>} : memref<128x128xf32, #tpu.memory_space<vmem>>, vector<1x16xf32>,
        %parallel_loop3A_175 = vector.shape_cast %parallel_loop3A_174 : vector<1x16xf32> to vector<16xf32>
        %parallel_loop3A_176 = arith.constant 11.3137083 : f32
        %parallel_loop3A_177 = vector.broadcast %parallel_loop3A_176 : f32 to vector<16xf32>
        %parallel_loop3A_178 = arith.mulf %parallel_loop3A_175, %parallel_loop3A_177 : vector<16xf32>
        %parallel_loop3A_179 = arith.index_cast %parallel_loop3A_159 : i32 to index
        %parallel_loop3A_180 = arith.constant 16 : index
        %parallel_loop3A_181 = tpu.vector_load %arg11[%parallel_loop3A_179, %parallel_loop3A_180] {strides = array<i32>} : memref<128x128xf32, #tpu.memory_space<vmem>>, vector<1x16xf32>,
        %parallel_loop3A_182 = vector.shape_cast %parallel_loop3A_181 : vector<1x16xf32> to vector<16xf32>
        %parallel_loop3A_183 = vector.shape_cast %parallel_loop3A_178 : vector<16xf32> to vector<1x16xf32>
        tpu.vector_store %arg11[%parallel_loop3A_179, %parallel_loop3A_180], %parallel_loop3A_183 {strides = array<i32>} : memref<128x128xf32, #tpu.memory_space<vmem>>, vector<1x16xf32>,
        %parallel_loop3A_184 = arith.index_cast %parallel_loop3A_159 : i32 to index
        %parallel_loop3A_185 = arith.constant 32 : index
        %parallel_loop3A_186 = tpu.vector_load %arg7[%parallel_loop3A_184, %parallel_loop3A_185] {strides = array<i32>} : memref<128x128xf32, #tpu.memory_space<vmem>>, vector<1x16xf32>,
        %parallel_loop3A_187 = vector.shape_cast %parallel_loop3A_186 : vector<1x16xf32> to vector<16xf32>
        %parallel_loop3A_188 = arith.constant 11.3137083 : f32
        %parallel_loop3A_189 = vector.broadcast %parallel_loop3A_188 : f32 to vector<16xf32>
        %parallel_loop3A_190 = arith.mulf %parallel_loop3A_187, %parallel_loop3A_189 : vector<16xf32>
        %parallel_loop3A_191 = arith.index_cast %parallel_loop3A_159 : i32 to index
        %parallel_loop3A_192 = arith.constant 32 : index
        %parallel_loop3A_193 = tpu.vector_load %arg11[%parallel_loop3A_191, %parallel_loop3A_192] {strides = array<i32>} : memref<128x128xf32, #tpu.memory_space<vmem>>, vector<1x16xf32>,
        %parallel_loop3A_194 = vector.shape_cast %parallel_loop3A_193 : vector<1x16xf32> to vector<16xf32>
        %parallel_loop3A_195 = vector.shape_cast %parallel_loop3A_190 : vector<16xf32> to vector<1x16xf32>
        tpu.vector_store %arg11[%parallel_loop3A_191, %parallel_loop3A_192], %parallel_loop3A_195 {strides = array<i32>} : memref<128x128xf32, #tpu.memory_space<vmem>>, vector<1x16xf32>,
        %parallel_loop3A_196 = arith.index_cast %parallel_loop3A_159 : i32 to index
        %parallel_loop3A_197 = arith.constant 48 : index
        %parallel_loop3A_198 = tpu.vector_load %arg7[%parallel_loop3A_196, %parallel_loop3A_197] {strides = array<i32>} : memref<128x128xf32, #tpu.memory_space<vmem>>, vector<1x16xf32>,
        %parallel_loop3A_199 = vector.shape_cast %parallel_loop3A_198 : vector<1x16xf32> to vector<16xf32>
        %parallel_loop3A_200 = arith.constant 11.3137083 : f32
        %parallel_loop3A_201 = vector.broadcast %parallel_loop3A_200 : f32 to vector<16xf32>
        %parallel_loop3A_202 = arith.mulf %parallel_loop3A_199, %parallel_loop3A_201 : vector<16xf32>
        %parallel_loop3A_203 = arith.index_cast %parallel_loop3A_159 : i32 to index
        %parallel_loop3A_204 = arith.constant 48 : index
        %parallel_loop3A_205 = tpu.vector_load %arg11[%parallel_loop3A_203, %parallel_loop3A_204] {strides = array<i32>} : memref<128x128xf32, #tpu.memory_space<vmem>>, vector<1x16xf32>,
        %parallel_loop3A_206 = vector.shape_cast %parallel_loop3A_205 : vector<1x16xf32> to vector<16xf32>
        %parallel_loop3A_207 = vector.shape_cast %parallel_loop3A_202 : vector<16xf32> to vector<1x16xf32>
        tpu.vector_store %arg11[%parallel_loop3A_203, %parallel_loop3A_204], %parallel_loop3A_207 {strides = array<i32>} : memref<128x128xf32, #tpu.memory_space<vmem>>, vector<1x16xf32>,
        %parallel_loop3A_208 = arith.index_cast %parallel_loop3A_159 : i32 to index
        %parallel_loop3A_209 = arith.constant 64 : index
        %parallel_loop3A_210 = tpu.vector_load %arg7[%parallel_loop3A_208, %parallel_loop3A_209] {strides = array<i32>} : memref<128x128xf32, #tpu.memory_space<vmem>>, vector<1x16xf32>,
        %parallel_loop3A_211 = vector.shape_cast %parallel_loop3A_210 : vector<1x16xf32> to vector<16xf32>
        %parallel_loop3A_212 = arith.constant 11.3137083 : f32
        %parallel_loop3A_213 = vector.broadcast %parallel_loop3A_212 : f32 to vector<16xf32>
        %parallel_loop3A_214 = arith.mulf %parallel_loop3A_211, %parallel_loop3A_213 : vector<16xf32>
        %parallel_loop3A_215 = arith.index_cast %parallel_loop3A_159 : i32 to index
        %parallel_loop3A_216 = arith.constant 64 : index
        %parallel_loop3A_217 = tpu.vector_load %arg11[%parallel_loop3A_215, %parallel_loop3A_216] {strides = array<i32>} : memref<128x128xf32, #tpu.memory_space<vmem>>, vector<1x16xf32>,
        %parallel_loop3A_218 = vector.shape_cast %parallel_loop3A_217 : vector<1x16xf32> to vector<16xf32>
        %parallel_loop3A_219 = vector.shape_cast %parallel_loop3A_214 : vector<16xf32> to vector<1x16xf32>
        tpu.vector_store %arg11[%parallel_loop3A_215, %parallel_loop3A_216], %parallel_loop3A_219 {strides = array<i32>} : memref<128x128xf32, #tpu.memory_space<vmem>>, vector<1x16xf32>,
        %parallel_loop3A_220 = arith.index_cast %parallel_loop3A_159 : i32 to index
        %parallel_loop3A_221 = arith.constant 80 : index
        %parallel_loop3A_222 = tpu.vector_load %arg7[%parallel_loop3A_220, %parallel_loop3A_221] {strides = array<i32>} : memref<128x128xf32, #tpu.memory_space<vmem>>, vector<1x16xf32>,
        %parallel_loop3A_223 = vector.shape_cast %parallel_loop3A_222 : vector<1x16xf32> to vector<16xf32>
        %parallel_loop3A_224 = arith.constant 11.3137083 : f32
        %parallel_loop3A_225 = vector.broadcast %parallel_loop3A_224 : f32 to vector<16xf32>
        %parallel_loop3A_226 = arith.mulf %parallel_loop3A_223, %parallel_loop3A_225 : vector<16xf32>
        %parallel_loop3A_227 = arith.index_cast %parallel_loop3A_159 : i32 to index
        %parallel_loop3A_228 = arith.constant 80 : index
        %parallel_loop3A_229 = tpu.vector_load %arg11[%parallel_loop3A_227, %parallel_loop3A_228] {strides = array<i32>} : memref<128x128xf32, #tpu.memory_space<vmem>>, vector<1x16xf32>,
        %parallel_loop3A_230 = vector.shape_cast %parallel_loop3A_229 : vector<1x16xf32> to vector<16xf32>
        %parallel_loop3A_231 = vector.shape_cast %parallel_loop3A_226 : vector<16xf32> to vector<1x16xf32>
        tpu.vector_store %arg11[%parallel_loop3A_227, %parallel_loop3A_228], %parallel_loop3A_231 {strides = array<i32>} : memref<128x128xf32, #tpu.memory_space<vmem>>, vector<1x16xf32>,
        %parallel_loop3A_232 = arith.index_cast %parallel_loop3A_159 : i32 to index
        %parallel_loop3A_233 = arith.constant 96 : index
        %parallel_loop3A_234 = tpu.vector_load %arg7[%parallel_loop3A_232, %parallel_loop3A_233] {strides = array<i32>} : memref<128x128xf32, #tpu.memory_space<vmem>>, vector<1x16xf32>,
        %parallel_loop3A_235 = vector.shape_cast %parallel_loop3A_234 : vector<1x16xf32> to vector<16xf32>
        %parallel_loop3A_236 = arith.constant 11.3137083 : f32
        %parallel_loop3A_237 = vector.broadcast %parallel_loop3A_236 : f32 to vector<16xf32>
        %parallel_loop3A_238 = arith.mulf %parallel_loop3A_235, %parallel_loop3A_237 : vector<16xf32>
        %parallel_loop3A_239 = arith.index_cast %parallel_loop3A_159 : i32 to index
        %parallel_loop3A_240 = arith.constant 96 : index
        %parallel_loop3A_241 = tpu.vector_load %arg11[%parallel_loop3A_239, %parallel_loop3A_240] {strides = array<i32>} : memref<128x128xf32, #tpu.memory_space<vmem>>, vector<1x16xf32>,
        %parallel_loop3A_242 = vector.shape_cast %parallel_loop3A_241 : vector<1x16xf32> to vector<16xf32>
        %parallel_loop3A_243 = vector.shape_cast %parallel_loop3A_238 : vector<16xf32> to vector<1x16xf32>
        tpu.vector_store %arg11[%parallel_loop3A_239, %parallel_loop3A_240], %parallel_loop3A_243 {strides = array<i32>} : memref<128x128xf32, #tpu.memory_space<vmem>>, vector<1x16xf32>,
        %parallel_loop3A_244 = arith.index_cast %parallel_loop3A_159 : i32 to index
        %parallel_loop3A_245 = arith.constant 112 : index
        %parallel_loop3A_246 = tpu.vector_load %arg7[%parallel_loop3A_244, %parallel_loop3A_245] {strides = array<i32>} : memref<128x128xf32, #tpu.memory_space<vmem>>, vector<1x16xf32>,
        %parallel_loop3A_247 = vector.shape_cast %parallel_loop3A_246 : vector<1x16xf32> to vector<16xf32>
        %parallel_loop3A_248 = arith.constant 11.3137083 : f32
        %parallel_loop3A_249 = vector.broadcast %parallel_loop3A_248 : f32 to vector<16xf32>
        %parallel_loop3A_250 = arith.mulf %parallel_loop3A_247, %parallel_loop3A_249 : vector<16xf32>
        %parallel_loop3A_251 = arith.index_cast %parallel_loop3A_159 : i32 to index
        %parallel_loop3A_252 = arith.constant 112 : index
        %parallel_loop3A_253 = tpu.vector_load %arg11[%parallel_loop3A_251, %parallel_loop3A_252] {strides = array<i32>} : memref<128x128xf32, #tpu.memory_space<vmem>>, vector<1x16xf32>,
        %parallel_loop3A_254 = vector.shape_cast %parallel_loop3A_253 : vector<1x16xf32> to vector<16xf32>
        %parallel_loop3A_255 = vector.shape_cast %parallel_loop3A_250 : vector<16xf32> to vector<1x16xf32>
        tpu.vector_store %arg11[%parallel_loop3A_251, %parallel_loop3A_252], %parallel_loop3A_255 {strides = array<i32>} : memref<128x128xf32, #tpu.memory_space<vmem>>, vector<1x16xf32>,
      } {sc.loop_unroll_factor = 8 : i64, sc.parallel_access}
      %mul3A_90 = arith.constant 128 : i32
      %mul3A_91 = arith.muli %add3A_75, %mul3A_90 : i32
      %add3A_92 = arith.addi %mul3A_2, %mul3A_91 : i32
      %dma_start3A_93 = arith.constant 0 : i32
      %dma_start3A_94 = tpu.memref_slice %arg4[%add3A_92, %dma_start3A_93] : memref<819200x128xf32, #tpu.memory_space<hbm>> -> memref<128x128xf32, #tpu.memory_space<hbm>>
      %dma_start3A_95 = arith.constant 0 : i32
      %dma_start3A_96 = tpu.memref_slice %arg4[%add3A_92, %dma_start3A_95] : memref<819200x128xf32, #tpu.memory_space<hbm>> -> memref<128x128xf32, #tpu.memory_space<hbm>>
      tpu.enqueue_dma source(%arg11 : memref<128x128xf32, #tpu.memory_space<vmem>>) target(%dma_start3A_96 : memref<128x128xf32, #tpu.memory_space<hbm>>) target_semaphore(%arg17 : memref<!tpu.dma_semaphore, #tpu.memory_space<semaphore_mem>>)
      %lt3A_97 = arith.constant 196 : i32
      %lt3A_98 = arith.cmpi slt, %add3A_75, %lt3A_97 : i32
      %convert_element_type3A_99 = arith.extui %lt3A_98 : i1 to i32
      %cond3A_100 = arith.constant 0 : i32
      %cond3A_101 = arith.cmpi ne, %convert_element_type3A_99, %cond3A_100 : i32
      scf.if %cond3A_101 {
        %add3A_159 = arith.constant 4 : i32
        %add3A_160 = arith.addi %add3A_75, %add3A_159 : i32
        %dma_start3A_161 = arith.constant 0 : i32
        %dma_start3A_162 = tpu.memref_slice %arg5[%add3A_160, %dma_start3A_161] : memref<200x128xi32, #tpu.memory_space<vmem>> -> memref<1x128xi32, #tpu.memory_space<vmem>>
        %dma_start3A_163 = tpu.memref_squeeze %dma_start3A_162 : memref<1x128xi32, #tpu.memory_space<vmem>> -> memref<128xi32, #tpu.memory_space<vmem>>
        %dma_start3A_164 = arith.constant 0 : i32
        %dma_start3A_165 = arith.constant 0 : i32
        %dma_start3A_166 = tpu.memref_slice %arg2[%dma_start3A_164, %dma_start3A_165] : memref<1000000x128xf32, #tpu.memory_space<hbm>> -> memref<1000000x128xf32, #tpu.memory_space<hbm>>
        tpu.enqueue_indirect_dma source(%dma_start3A_166 : memref<1000000x128xf32, #tpu.memory_space<hbm>>) target(%arg7 : memref<128x128xf32, #tpu.memory_space<vmem>>) offsets(%dma_start3A_163 : memref<128xi32, #tpu.memory_space<vmem>>) semaphore(%arg13 : memref<!tpu.dma_semaphore, #tpu.memory_space<semaphore_mem>>)
      } else {
      }
      %add3A_102 = arith.constant 2 : i32
      %add3A_103 = arith.addi %mul3A_50, %add3A_102 : i32
      %dma_wait3A_104 = arith.constant 0 : i32
      %dma_wait3A_105 = tpu.memref_slice %arg5[%add3A_103, %dma_wait3A_104] : memref<200x128xi32, #tpu.memory_space<vmem>> -> memref<1x128xi32, #tpu.memory_space<vmem>>
      %dma_wait3A_106 = tpu.memref_squeeze %dma_wait3A_105 : memref<1x128xi32, #tpu.memory_space<vmem>> -> memref<128xi32, #tpu.memory_space<vmem>>
      %dma_wait3A_107 = arith.constant 0 : i32
      %dma_wait3A_108 = arith.constant 0 : i32
      %dma_wait3A_109 = tpu.memref_slice %arg2[%dma_wait3A_107, %dma_wait3A_108] : memref<1000000x128xf32, #tpu.memory_space<hbm>> -> memref<1000000x128xf32, #tpu.memory_space<hbm>>
      tpu.wait_indirect_dma semaphore(%arg14 : memref<!tpu.dma_semaphore, #tpu.memory_space<semaphore_mem>>) src(%dma_wait3A_109 : memref<1000000x128xf32, #tpu.memory_space<hbm>>) dst(%arg8 : memref<128x128xf32, #tpu.memory_space<vmem>>)
      %ge3A_110 = arith.constant 2 : i32
      %ge3A_111 = arith.cmpi sge, %add3A_103, %ge3A_110 : i32
      %convert_element_type3A_112 = arith.extui %ge3A_111 : i1 to i32
      %cond3A_113 = arith.constant 0 : i32
      %cond3A_114 = arith.cmpi ne, %convert_element_type3A_112, %cond3A_113 : i32
      scf.if %cond3A_114 {
        %sub3A = arith.constant 2 : i32
        %sub3A_159 = arith.subi %add3A_103, %sub3A : i32
        %mul3A_160 = arith.constant 128 : i32
        %mul3A_161 = arith.muli %sub3A_159, %mul3A_160 : i32
        %add3A_162 = arith.addi %mul3A_2, %mul3A_161 : i32
        %dma_wait3A_163 = arith.constant 0 : i32
        %dma_wait3A_164 = tpu.memref_slice %arg4[%add3A_162, %dma_wait3A_163] : memref<819200x128xf32, #tpu.memory_space<hbm>> -> memref<128x128xf32, #tpu.memory_space<hbm>>
        %dma_wait3A_165 = arith.constant 0 : i32
        %dma_wait3A_166 = tpu.memref_slice %arg4[%add3A_162, %dma_wait3A_165] : memref<819200x128xf32, #tpu.memory_space<hbm>> -> memref<128x128xf32, #tpu.memory_space<hbm>>
        tpu.wait_dma2 semaphore(%arg16 : memref<!tpu.dma_semaphore, #tpu.memory_space<semaphore_mem>>) src(%arg10 : memref<128x128xf32, #tpu.memory_space<vmem>>) dst(%dma_wait3A_166 : memref<128x128xf32, #tpu.memory_space<hbm>>)
      } else {
      }
      %parallel_loop3A_115 = arith.constant 0 : i32
      %parallel_loop3A_116 = arith.constant 128 : i32
      %parallel_loop3A_117 = arith.constant 1 : i32
      scf.for %parallel_loop3A_159 = %parallel_loop3A_115 to %parallel_loop3A_116 step %parallel_loop3A_117  : i32 {
        %parallel_loop3A_160 = arith.index_cast %parallel_loop3A_159 : i32 to index
        %parallel_loop3A_161 = arith.constant 0 : index
        %parallel_loop3A_162 = tpu.vector_load %arg8[%parallel_loop3A_160, %parallel_loop3A_161] {strides = array<i32>} : memref<128x128xf32, #tpu.memory_space<vmem>>, vector<1x16xf32>,
        %parallel_loop3A_163 = vector.shape_cast %parallel_loop3A_162 : vector<1x16xf32> to vector<16xf32>
        %parallel_loop3A_164 = arith.constant 11.3137083 : f32
        %parallel_loop3A_165 = vector.broadcast %parallel_loop3A_164 : f32 to vector<16xf32>
        %parallel_loop3A_166 = arith.mulf %parallel_loop3A_163, %parallel_loop3A_165 : vector<16xf32>
        %parallel_loop3A_167 = arith.index_cast %parallel_loop3A_159 : i32 to index
        %parallel_loop3A_168 = arith.constant 0 : index
        %parallel_loop3A_169 = tpu.vector_load %arg10[%parallel_loop3A_167, %parallel_loop3A_168] {strides = array<i32>} : memref<128x128xf32, #tpu.memory_space<vmem>>, vector<1x16xf32>,
        %parallel_loop3A_170 = vector.shape_cast %parallel_loop3A_169 : vector<1x16xf32> to vector<16xf32>
        %parallel_loop3A_171 = vector.shape_cast %parallel_loop3A_166 : vector<16xf32> to vector<1x16xf32>
        tpu.vector_store %arg10[%parallel_loop3A_167, %parallel_loop3A_168], %parallel_loop3A_171 {strides = array<i32>} : memref<128x128xf32, #tpu.memory_space<vmem>>, vector<1x16xf32>,
        %parallel_loop3A_172 = arith.index_cast %parallel_loop3A_159 : i32 to index
        %parallel_loop3A_173 = arith.constant 16 : index
        %parallel_loop3A_174 = tpu.vector_load %arg8[%parallel_loop3A_172, %parallel_loop3A_173] {strides = array<i32>} : memref<128x128xf32, #tpu.memory_space<vmem>>, vector<1x16xf32>,
        %parallel_loop3A_175 = vector.shape_cast %parallel_loop3A_174 : vector<1x16xf32> to vector<16xf32>
        %parallel_loop3A_176 = arith.constant 11.3137083 : f32
        %parallel_loop3A_177 = vector.broadcast %parallel_loop3A_176 : f32 to vector<16xf32>
        %parallel_loop3A_178 = arith.mulf %parallel_loop3A_175, %parallel_loop3A_177 : vector<16xf32>
        %parallel_loop3A_179 = arith.index_cast %parallel_loop3A_159 : i32 to index
        %parallel_loop3A_180 = arith.constant 16 : index
        %parallel_loop3A_181 = tpu.vector_load %arg10[%parallel_loop3A_179, %parallel_loop3A_180] {strides = array<i32>} : memref<128x128xf32, #tpu.memory_space<vmem>>, vector<1x16xf32>,
        %parallel_loop3A_182 = vector.shape_cast %parallel_loop3A_181 : vector<1x16xf32> to vector<16xf32>
        %parallel_loop3A_183 = vector.shape_cast %parallel_loop3A_178 : vector<16xf32> to vector<1x16xf32>
        tpu.vector_store %arg10[%parallel_loop3A_179, %parallel_loop3A_180], %parallel_loop3A_183 {strides = array<i32>} : memref<128x128xf32, #tpu.memory_space<vmem>>, vector<1x16xf32>,
        %parallel_loop3A_184 = arith.index_cast %parallel_loop3A_159 : i32 to index
        %parallel_loop3A_185 = arith.constant 32 : index
        %parallel_loop3A_186 = tpu.vector_load %arg8[%parallel_loop3A_184, %parallel_loop3A_185] {strides = array<i32>} : memref<128x128xf32, #tpu.memory_space<vmem>>, vector<1x16xf32>,
        %parallel_loop3A_187 = vector.shape_cast %parallel_loop3A_186 : vector<1x16xf32> to vector<16xf32>
        %parallel_loop3A_188 = arith.constant 11.3137083 : f32
        %parallel_loop3A_189 = vector.broadcast %parallel_loop3A_188 : f32 to vector<16xf32>
        %parallel_loop3A_190 = arith.mulf %parallel_loop3A_187, %parallel_loop3A_189 : vector<16xf32>
        %parallel_loop3A_191 = arith.index_cast %parallel_loop3A_159 : i32 to index
        %parallel_loop3A_192 = arith.constant 32 : index
        %parallel_loop3A_193 = tpu.vector_load %arg10[%parallel_loop3A_191, %parallel_loop3A_192] {strides = array<i32>} : memref<128x128xf32, #tpu.memory_space<vmem>>, vector<1x16xf32>,
        %parallel_loop3A_194 = vector.shape_cast %parallel_loop3A_193 : vector<1x16xf32> to vector<16xf32>
        %parallel_loop3A_195 = vector.shape_cast %parallel_loop3A_190 : vector<16xf32> to vector<1x16xf32>
        tpu.vector_store %arg10[%parallel_loop3A_191, %parallel_loop3A_192], %parallel_loop3A_195 {strides = array<i32>} : memref<128x128xf32, #tpu.memory_space<vmem>>, vector<1x16xf32>,
        %parallel_loop3A_196 = arith.index_cast %parallel_loop3A_159 : i32 to index
        %parallel_loop3A_197 = arith.constant 48 : index
        %parallel_loop3A_198 = tpu.vector_load %arg8[%parallel_loop3A_196, %parallel_loop3A_197] {strides = array<i32>} : memref<128x128xf32, #tpu.memory_space<vmem>>, vector<1x16xf32>,
        %parallel_loop3A_199 = vector.shape_cast %parallel_loop3A_198 : vector<1x16xf32> to vector<16xf32>
        %parallel_loop3A_200 = arith.constant 11.3137083 : f32
        %parallel_loop3A_201 = vector.broadcast %parallel_loop3A_200 : f32 to vector<16xf32>
        %parallel_loop3A_202 = arith.mulf %parallel_loop3A_199, %parallel_loop3A_201 : vector<16xf32>
        %parallel_loop3A_203 = arith.index_cast %parallel_loop3A_159 : i32 to index
        %parallel_loop3A_204 = arith.constant 48 : index
        %parallel_loop3A_205 = tpu.vector_load %arg10[%parallel_loop3A_203, %parallel_loop3A_204] {strides = array<i32>} : memref<128x128xf32, #tpu.memory_space<vmem>>, vector<1x16xf32>,
        %parallel_loop3A_206 = vector.shape_cast %parallel_loop3A_205 : vector<1x16xf32> to vector<16xf32>
        %parallel_loop3A_207 = vector.shape_cast %parallel_loop3A_202 : vector<16xf32> to vector<1x16xf32>
        tpu.vector_store %arg10[%parallel_loop3A_203, %parallel_loop3A_204], %parallel_loop3A_207 {strides = array<i32>} : memref<128x128xf32, #tpu.memory_space<vmem>>, vector<1x16xf32>,
        %parallel_loop3A_208 = arith.index_cast %parallel_loop3A_159 : i32 to index
        %parallel_loop3A_209 = arith.constant 64 : index
        %parallel_loop3A_210 = tpu.vector_load %arg8[%parallel_loop3A_208, %parallel_loop3A_209] {strides = array<i32>} : memref<128x128xf32, #tpu.memory_space<vmem>>, vector<1x16xf32>,
        %parallel_loop3A_211 = vector.shape_cast %parallel_loop3A_210 : vector<1x16xf32> to vector<16xf32>
        %parallel_loop3A_212 = arith.constant 11.3137083 : f32
        %parallel_loop3A_213 = vector.broadcast %parallel_loop3A_212 : f32 to vector<16xf32>
        %parallel_loop3A_214 = arith.mulf %parallel_loop3A_211, %parallel_loop3A_213 : vector<16xf32>
        %parallel_loop3A_215 = arith.index_cast %parallel_loop3A_159 : i32 to index
        %parallel_loop3A_216 = arith.constant 64 : index
        %parallel_loop3A_217 = tpu.vector_load %arg10[%parallel_loop3A_215, %parallel_loop3A_216] {strides = array<i32>} : memref<128x128xf32, #tpu.memory_space<vmem>>, vector<1x16xf32>,
        %parallel_loop3A_218 = vector.shape_cast %parallel_loop3A_217 : vector<1x16xf32> to vector<16xf32>
        %parallel_loop3A_219 = vector.shape_cast %parallel_loop3A_214 : vector<16xf32> to vector<1x16xf32>
        tpu.vector_store %arg10[%parallel_loop3A_215, %parallel_loop3A_216], %parallel_loop3A_219 {strides = array<i32>} : memref<128x128xf32, #tpu.memory_space<vmem>>, vector<1x16xf32>,
        %parallel_loop3A_220 = arith.index_cast %parallel_loop3A_159 : i32 to index
        %parallel_loop3A_221 = arith.constant 80 : index
        %parallel_loop3A_222 = tpu.vector_load %arg8[%parallel_loop3A_220, %parallel_loop3A_221] {strides = array<i32>} : memref<128x128xf32, #tpu.memory_space<vmem>>, vector<1x16xf32>,
        %parallel_loop3A_223 = vector.shape_cast %parallel_loop3A_222 : vector<1x16xf32> to vector<16xf32>
        %parallel_loop3A_224 = arith.constant 11.3137083 : f32
        %parallel_loop3A_225 = vector.broadcast %parallel_loop3A_224 : f32 to vector<16xf32>
        %parallel_loop3A_226 = arith.mulf %parallel_loop3A_223, %parallel_loop3A_225 : vector<16xf32>
        %parallel_loop3A_227 = arith.index_cast %parallel_loop3A_159 : i32 to index
        %parallel_loop3A_228 = arith.constant 80 : index
        %parallel_loop3A_229 = tpu.vector_load %arg10[%parallel_loop3A_227, %parallel_loop3A_228] {strides = array<i32>} : memref<128x128xf32, #tpu.memory_space<vmem>>, vector<1x16xf32>,
        %parallel_loop3A_230 = vector.shape_cast %parallel_loop3A_229 : vector<1x16xf32> to vector<16xf32>
        %parallel_loop3A_231 = vector.shape_cast %parallel_loop3A_226 : vector<16xf32> to vector<1x16xf32>
        tpu.vector_store %arg10[%parallel_loop3A_227, %parallel_loop3A_228], %parallel_loop3A_231 {strides = array<i32>} : memref<128x128xf32, #tpu.memory_space<vmem>>, vector<1x16xf32>,
        %parallel_loop3A_232 = arith.index_cast %parallel_loop3A_159 : i32 to index
        %parallel_loop3A_233 = arith.constant 96 : index
        %parallel_loop3A_234 = tpu.vector_load %arg8[%parallel_loop3A_232, %parallel_loop3A_233] {strides = array<i32>} : memref<128x128xf32, #tpu.memory_space<vmem>>, vector<1x16xf32>,
        %parallel_loop3A_235 = vector.shape_cast %parallel_loop3A_234 : vector<1x16xf32> to vector<16xf32>
        %parallel_loop3A_236 = arith.constant 11.3137083 : f32
        %parallel_loop3A_237 = vector.broadcast %parallel_loop3A_236 : f32 to vector<16xf32>
        %parallel_loop3A_238 = arith.mulf %parallel_loop3A_235, %parallel_loop3A_237 : vector<16xf32>
        %parallel_loop3A_239 = arith.index_cast %parallel_loop3A_159 : i32 to index
        %parallel_loop3A_240 = arith.constant 96 : index
        %parallel_loop3A_241 = tpu.vector_load %arg10[%parallel_loop3A_239, %parallel_loop3A_240] {strides = array<i32>} : memref<128x128xf32, #tpu.memory_space<vmem>>, vector<1x16xf32>,
        %parallel_loop3A_242 = vector.shape_cast %parallel_loop3A_241 : vector<1x16xf32> to vector<16xf32>
        %parallel_loop3A_243 = vector.shape_cast %parallel_loop3A_238 : vector<16xf32> to vector<1x16xf32>
        tpu.vector_store %arg10[%parallel_loop3A_239, %parallel_loop3A_240], %parallel_loop3A_243 {strides = array<i32>} : memref<128x128xf32, #tpu.memory_space<vmem>>, vector<1x16xf32>,
        %parallel_loop3A_244 = arith.index_cast %parallel_loop3A_159 : i32 to index
        %parallel_loop3A_245 = arith.constant 112 : index
        %parallel_loop3A_246 = tpu.vector_load %arg8[%parallel_loop3A_244, %parallel_loop3A_245] {strides = array<i32>} : memref<128x128xf32, #tpu.memory_space<vmem>>, vector<1x16xf32>,
        %parallel_loop3A_247 = vector.shape_cast %parallel_loop3A_246 : vector<1x16xf32> to vector<16xf32>
        %parallel_loop3A_248 = arith.constant 11.3137083 : f32
        %parallel_loop3A_249 = vector.broadcast %parallel_loop3A_248 : f32 to vector<16xf32>
        %parallel_loop3A_250 = arith.mulf %parallel_loop3A_247, %parallel_loop3A_249 : vector<16xf32>
        %parallel_loop3A_251 = arith.index_cast %parallel_loop3A_159 : i32 to index
        %parallel_loop3A_252 = arith.constant 112 : index
        %parallel_loop3A_253 = tpu.vector_load %arg10[%parallel_loop3A_251, %parallel_loop3A_252] {strides = array<i32>} : memref<128x128xf32, #tpu.memory_space<vmem>>, vector<1x16xf32>,
        %parallel_loop3A_254 = vector.shape_cast %parallel_loop3A_253 : vector<1x16xf32> to vector<16xf32>
        %parallel_loop3A_255 = vector.shape_cast %parallel_loop3A_250 : vector<16xf32> to vector<1x16xf32>
        tpu.vector_store %arg10[%parallel_loop3A_251, %parallel_loop3A_252], %parallel_loop3A_255 {strides = array<i32>} : memref<128x128xf32, #tpu.memory_space<vmem>>, vector<1x16xf32>,
      } {sc.loop_unroll_factor = 8 : i64, sc.parallel_access}
      %mul3A_118 = arith.constant 128 : i32
      %mul3A_119 = arith.muli %add3A_103, %mul3A_118 : i32
      %add3A_120 = arith.addi %mul3A_2, %mul3A_119 : i32
      %dma_start3A_121 = arith.constant 0 : i32
      %dma_start3A_122 = tpu.memref_slice %arg4[%add3A_120, %dma_start3A_121] : memref<819200x128xf32, #tpu.memory_space<hbm>> -> memref<128x128xf32, #tpu.memory_space<hbm>>
      %dma_start3A_123 = arith.constant 0 : i32
      %dma_start3A_124 = tpu.memref_slice %arg4[%add3A_120, %dma_start3A_123] : memref<819200x128xf32, #tpu.memory_space<hbm>> -> memref<128x128xf32, #tpu.memory_space<hbm>>
      tpu.enqueue_dma source(%arg10 : memref<128x128xf32, #tpu.memory_space<vmem>>) target(%dma_start3A_124 : memref<128x128xf32, #tpu.memory_space<hbm>>) target_semaphore(%arg16 : memref<!tpu.dma_semaphore, #tpu.memory_space<semaphore_mem>>)
      %lt3A_125 = arith.constant 196 : i32
      %lt3A_126 = arith.cmpi slt, %add3A_103, %lt3A_125 : i32
      %convert_element_type3A_127 = arith.extui %lt3A_126 : i1 to i32
      %cond3A_128 = arith.constant 0 : i32
      %cond3A_129 = arith.cmpi ne, %convert_element_type3A_127, %cond3A_128 : i32
      scf.if %cond3A_129 {
        %add3A_159 = arith.constant 4 : i32
        %add3A_160 = arith.addi %add3A_103, %add3A_159 : i32
        %dma_start3A_161 = arith.constant 0 : i32
        %dma_start3A_162 = tpu.memref_slice %arg5[%add3A_160, %dma_start3A_161] : memref<200x128xi32, #tpu.memory_space<vmem>> -> memref<1x128xi32, #tpu.memory_space<vmem>>
        %dma_start3A_163 = tpu.memref_squeeze %dma_start3A_162 : memref<1x128xi32, #tpu.memory_space<vmem>> -> memref<128xi32, #tpu.memory_space<vmem>>
        %dma_start3A_164 = arith.constant 0 : i32
        %dma_start3A_165 = arith.constant 0 : i32
        %dma_start3A_166 = tpu.memref_slice %arg2[%dma_start3A_164, %dma_start3A_165] : memref<1000000x128xf32, #tpu.memory_space<hbm>> -> memref<1000000x128xf32, #tpu.memory_space<hbm>>
        tpu.enqueue_indirect_dma source(%dma_start3A_166 : memref<1000000x128xf32, #tpu.memory_space<hbm>>) target(%arg8 : memref<128x128xf32, #tpu.memory_space<vmem>>) offsets(%dma_start3A_163 : memref<128xi32, #tpu.memory_space<vmem>>) semaphore(%arg14 : memref<!tpu.dma_semaphore, #tpu.memory_space<semaphore_mem>>)
      } else {
      }
      %add3A_130 = arith.constant 3 : i32
      %add3A_131 = arith.addi %mul3A_50, %add3A_130 : i32
      %dma_wait3A_132 = arith.constant 0 : i32
      %dma_wait3A_133 = tpu.memref_slice %arg5[%add3A_131, %dma_wait3A_132] : memref<200x128xi32, #tpu.memory_space<vmem>> -> memref<1x128xi32, #tpu.memory_space<vmem>>
      %dma_wait3A_134 = tpu.memref_squeeze %dma_wait3A_133 : memref<1x128xi32, #tpu.memory_space<vmem>> -> memref<128xi32, #tpu.memory_space<vmem>>
      %dma_wait3A_135 = arith.constant 0 : i32
      %dma_wait3A_136 = arith.constant 0 : i32
      %dma_wait3A_137 = tpu.memref_slice %arg2[%dma_wait3A_135, %dma_wait3A_136] : memref<1000000x128xf32, #tpu.memory_space<hbm>> -> memref<1000000x128xf32, #tpu.memory_space<hbm>>
      tpu.wait_indirect_dma semaphore(%arg15 : memref<!tpu.dma_semaphore, #tpu.memory_space<semaphore_mem>>) src(%dma_wait3A_137 : memref<1000000x128xf32, #tpu.memory_space<hbm>>) dst(%arg9 : memref<128x128xf32, #tpu.memory_space<vmem>>)
      %ge3A_138 = arith.constant 2 : i32
      %ge3A_139 = arith.cmpi sge, %add3A_131, %ge3A_138 : i32
      %convert_element_type3A_140 = arith.extui %ge3A_139 : i1 to i32
      %cond3A_141 = arith.constant 0 : i32
      %cond3A_142 = arith.cmpi ne, %convert_element_type3A_140, %cond3A_141 : i32
      scf.if %cond3A_142 {
        %sub3A = arith.constant 2 : i32
        %sub3A_159 = arith.subi %add3A_131, %sub3A : i32
        %mul3A_160 = arith.constant 128 : i32
        %mul3A_161 = arith.muli %sub3A_159, %mul3A_160 : i32
        %add3A_162 = arith.addi %mul3A_2, %mul3A_161 : i32
        %dma_wait3A_163 = arith.constant 0 : i32
        %dma_wait3A_164 = tpu.memref_slice %arg4[%add3A_162, %dma_wait3A_163] : memref<819200x128xf32, #tpu.memory_space<hbm>> -> memref<128x128xf32, #tpu.memory_space<hbm>>
        %dma_wait3A_165 = arith.constant 0 : i32
        %dma_wait3A_166 = tpu.memref_slice %arg4[%add3A_162, %dma_wait3A_165] : memref<819200x128xf32, #tpu.memory_space<hbm>> -> memref<128x128xf32, #tpu.memory_space<hbm>>
        tpu.wait_dma2 semaphore(%arg17 : memref<!tpu.dma_semaphore, #tpu.memory_space<semaphore_mem>>) src(%arg11 : memref<128x128xf32, #tpu.memory_space<vmem>>) dst(%dma_wait3A_166 : memref<128x128xf32, #tpu.memory_space<hbm>>)
      } else {
      }
      %parallel_loop3A_143 = arith.constant 0 : i32
      %parallel_loop3A_144 = arith.constant 128 : i32
      %parallel_loop3A_145 = arith.constant 1 : i32
      scf.for %parallel_loop3A_159 = %parallel_loop3A_143 to %parallel_loop3A_144 step %parallel_loop3A_145  : i32 {
        %parallel_loop3A_160 = arith.index_cast %parallel_loop3A_159 : i32 to index
        %parallel_loop3A_161 = arith.constant 0 : index
        %parallel_loop3A_162 = tpu.vector_load %arg9[%parallel_loop3A_160, %parallel_loop3A_161] {strides = array<i32>} : memref<128x128xf32, #tpu.memory_space<vmem>>, vector<1x16xf32>,
        %parallel_loop3A_163 = vector.shape_cast %parallel_loop3A_162 : vector<1x16xf32> to vector<16xf32>
        %parallel_loop3A_164 = arith.constant 11.3137083 : f32
        %parallel_loop3A_165 = vector.broadcast %parallel_loop3A_164 : f32 to vector<16xf32>
        %parallel_loop3A_166 = arith.mulf %parallel_loop3A_163, %parallel_loop3A_165 : vector<16xf32>
        %parallel_loop3A_167 = arith.index_cast %parallel_loop3A_159 : i32 to index
        %parallel_loop3A_168 = arith.constant 0 : index
        %parallel_loop3A_169 = tpu.vector_load %arg11[%parallel_loop3A_167, %parallel_loop3A_168] {strides = array<i32>} : memref<128x128xf32, #tpu.memory_space<vmem>>, vector<1x16xf32>,
        %parallel_loop3A_170 = vector.shape_cast %parallel_loop3A_169 : vector<1x16xf32> to vector<16xf32>
        %parallel_loop3A_171 = vector.shape_cast %parallel_loop3A_166 : vector<16xf32> to vector<1x16xf32>
        tpu.vector_store %arg11[%parallel_loop3A_167, %parallel_loop3A_168], %parallel_loop3A_171 {strides = array<i32>} : memref<128x128xf32, #tpu.memory_space<vmem>>, vector<1x16xf32>,
        %parallel_loop3A_172 = arith.index_cast %parallel_loop3A_159 : i32 to index
        %parallel_loop3A_173 = arith.constant 16 : index
        %parallel_loop3A_174 = tpu.vector_load %arg9[%parallel_loop3A_172, %parallel_loop3A_173] {strides = array<i32>} : memref<128x128xf32, #tpu.memory_space<vmem>>, vector<1x16xf32>,
        %parallel_loop3A_175 = vector.shape_cast %parallel_loop3A_174 : vector<1x16xf32> to vector<16xf32>
        %parallel_loop3A_176 = arith.constant 11.3137083 : f32
        %parallel_loop3A_177 = vector.broadcast %parallel_loop3A_176 : f32 to vector<16xf32>
        %parallel_loop3A_178 = arith.mulf %parallel_loop3A_175, %parallel_loop3A_177 : vector<16xf32>
        %parallel_loop3A_179 = arith.index_cast %parallel_loop3A_159 : i32 to index
        %parallel_loop3A_180 = arith.constant 16 : index
        %parallel_loop3A_181 = tpu.vector_load %arg11[%parallel_loop3A_179, %parallel_loop3A_180] {strides = array<i32>} : memref<128x128xf32, #tpu.memory_space<vmem>>, vector<1x16xf32>,
        %parallel_loop3A_182 = vector.shape_cast %parallel_loop3A_181 : vector<1x16xf32> to vector<16xf32>
        %parallel_loop3A_183 = vector.shape_cast %parallel_loop3A_178 : vector<16xf32> to vector<1x16xf32>
        tpu.vector_store %arg11[%parallel_loop3A_179, %parallel_loop3A_180], %parallel_loop3A_183 {strides = array<i32>} : memref<128x128xf32, #tpu.memory_space<vmem>>, vector<1x16xf32>,
        %parallel_loop3A_184 = arith.index_cast %parallel_loop3A_159 : i32 to index
        %parallel_loop3A_185 = arith.constant 32 : index
        %parallel_loop3A_186 = tpu.vector_load %arg9[%parallel_loop3A_184, %parallel_loop3A_185] {strides = array<i32>} : memref<128x128xf32, #tpu.memory_space<vmem>>, vector<1x16xf32>,
        %parallel_loop3A_187 = vector.shape_cast %parallel_loop3A_186 : vector<1x16xf32> to vector<16xf32>
        %parallel_loop3A_188 = arith.constant 11.3137083 : f32
        %parallel_loop3A_189 = vector.broadcast %parallel_loop3A_188 : f32 to vector<16xf32>
        %parallel_loop3A_190 = arith.mulf %parallel_loop3A_187, %parallel_loop3A_189 : vector<16xf32>
        %parallel_loop3A_191 = arith.index_cast %parallel_loop3A_159 : i32 to index
        %parallel_loop3A_192 = arith.constant 32 : index
        %parallel_loop3A_193 = tpu.vector_load %arg11[%parallel_loop3A_191, %parallel_loop3A_192] {strides = array<i32>} : memref<128x128xf32, #tpu.memory_space<vmem>>, vector<1x16xf32>,
        %parallel_loop3A_194 = vector.shape_cast %parallel_loop3A_193 : vector<1x16xf32> to vector<16xf32>
        %parallel_loop3A_195 = vector.shape_cast %parallel_loop3A_190 : vector<16xf32> to vector<1x16xf32>
        tpu.vector_store %arg11[%parallel_loop3A_191, %parallel_loop3A_192], %parallel_loop3A_195 {strides = array<i32>} : memref<128x128xf32, #tpu.memory_space<vmem>>, vector<1x16xf32>,
        %parallel_loop3A_196 = arith.index_cast %parallel_loop3A_159 : i32 to index
        %parallel_loop3A_197 = arith.constant 48 : index
        %parallel_loop3A_198 = tpu.vector_load %arg9[%parallel_loop3A_196, %parallel_loop3A_197] {strides = array<i32>} : memref<128x128xf32, #tpu.memory_space<vmem>>, vector<1x16xf32>,
        %parallel_loop3A_199 = vector.shape_cast %parallel_loop3A_198 : vector<1x16xf32> to vector<16xf32>
        %parallel_loop3A_200 = arith.constant 11.3137083 : f32
        %parallel_loop3A_201 = vector.broadcast %parallel_loop3A_200 : f32 to vector<16xf32>
        %parallel_loop3A_202 = arith.mulf %parallel_loop3A_199, %parallel_loop3A_201 : vector<16xf32>
        %parallel_loop3A_203 = arith.index_cast %parallel_loop3A_159 : i32 to index
        %parallel_loop3A_204 = arith.constant 48 : index
        %parallel_loop3A_205 = tpu.vector_load %arg11[%parallel_loop3A_203, %parallel_loop3A_204] {strides = array<i32>} : memref<128x128xf32, #tpu.memory_space<vmem>>, vector<1x16xf32>,
        %parallel_loop3A_206 = vector.shape_cast %parallel_loop3A_205 : vector<1x16xf32> to vector<16xf32>
        %parallel_loop3A_207 = vector.shape_cast %parallel_loop3A_202 : vector<16xf32> to vector<1x16xf32>
        tpu.vector_store %arg11[%parallel_loop3A_203, %parallel_loop3A_204], %parallel_loop3A_207 {strides = array<i32>} : memref<128x128xf32, #tpu.memory_space<vmem>>, vector<1x16xf32>,
        %parallel_loop3A_208 = arith.index_cast %parallel_loop3A_159 : i32 to index
        %parallel_loop3A_209 = arith.constant 64 : index
        %parallel_loop3A_210 = tpu.vector_load %arg9[%parallel_loop3A_208, %parallel_loop3A_209] {strides = array<i32>} : memref<128x128xf32, #tpu.memory_space<vmem>>, vector<1x16xf32>,
        %parallel_loop3A_211 = vector.shape_cast %parallel_loop3A_210 : vector<1x16xf32> to vector<16xf32>
        %parallel_loop3A_212 = arith.constant 11.3137083 : f32
        %parallel_loop3A_213 = vector.broadcast %parallel_loop3A_212 : f32 to vector<16xf32>
        %parallel_loop3A_214 = arith.mulf %parallel_loop3A_211, %parallel_loop3A_213 : vector<16xf32>
        %parallel_loop3A_215 = arith.index_cast %parallel_loop3A_159 : i32 to index
        %parallel_loop3A_216 = arith.constant 64 : index
        %parallel_loop3A_217 = tpu.vector_load %arg11[%parallel_loop3A_215, %parallel_loop3A_216] {strides = array<i32>} : memref<128x128xf32, #tpu.memory_space<vmem>>, vector<1x16xf32>,
        %parallel_loop3A_218 = vector.shape_cast %parallel_loop3A_217 : vector<1x16xf32> to vector<16xf32>
        %parallel_loop3A_219 = vector.shape_cast %parallel_loop3A_214 : vector<16xf32> to vector<1x16xf32>
        tpu.vector_store %arg11[%parallel_loop3A_215, %parallel_loop3A_216], %parallel_loop3A_219 {strides = array<i32>} : memref<128x128xf32, #tpu.memory_space<vmem>>, vector<1x16xf32>,
        %parallel_loop3A_220 = arith.index_cast %parallel_loop3A_159 : i32 to index
        %parallel_loop3A_221 = arith.constant 80 : index
        %parallel_loop3A_222 = tpu.vector_load %arg9[%parallel_loop3A_220, %parallel_loop3A_221] {strides = array<i32>} : memref<128x128xf32, #tpu.memory_space<vmem>>, vector<1x16xf32>,
        %parallel_loop3A_223 = vector.shape_cast %parallel_loop3A_222 : vector<1x16xf32> to vector<16xf32>
        %parallel_loop3A_224 = arith.constant 11.3137083 : f32
        %parallel_loop3A_225 = vector.broadcast %parallel_loop3A_224 : f32 to vector<16xf32>
        %parallel_loop3A_226 = arith.mulf %parallel_loop3A_223, %parallel_loop3A_225 : vector<16xf32>
        %parallel_loop3A_227 = arith.index_cast %parallel_loop3A_159 : i32 to index
        %parallel_loop3A_228 = arith.constant 80 : index
        %parallel_loop3A_229 = tpu.vector_load %arg11[%parallel_loop3A_227, %parallel_loop3A_228] {strides = array<i32>} : memref<128x128xf32, #tpu.memory_space<vmem>>, vector<1x16xf32>,
        %parallel_loop3A_230 = vector.shape_cast %parallel_loop3A_229 : vector<1x16xf32> to vector<16xf32>
        %parallel_loop3A_231 = vector.shape_cast %parallel_loop3A_226 : vector<16xf32> to vector<1x16xf32>
        tpu.vector_store %arg11[%parallel_loop3A_227, %parallel_loop3A_228], %parallel_loop3A_231 {strides = array<i32>} : memref<128x128xf32, #tpu.memory_space<vmem>>, vector<1x16xf32>,
        %parallel_loop3A_232 = arith.index_cast %parallel_loop3A_159 : i32 to index
        %parallel_loop3A_233 = arith.constant 96 : index
        %parallel_loop3A_234 = tpu.vector_load %arg9[%parallel_loop3A_232, %parallel_loop3A_233] {strides = array<i32>} : memref<128x128xf32, #tpu.memory_space<vmem>>, vector<1x16xf32>,
        %parallel_loop3A_235 = vector.shape_cast %parallel_loop3A_234 : vector<1x16xf32> to vector<16xf32>
        %parallel_loop3A_236 = arith.constant 11.3137083 : f32
        %parallel_loop3A_237 = vector.broadcast %parallel_loop3A_236 : f32 to vector<16xf32>
        %parallel_loop3A_238 = arith.mulf %parallel_loop3A_235, %parallel_loop3A_237 : vector<16xf32>
        %parallel_loop3A_239 = arith.index_cast %parallel_loop3A_159 : i32 to index
        %parallel_loop3A_240 = arith.constant 96 : index
        %parallel_loop3A_241 = tpu.vector_load %arg11[%parallel_loop3A_239, %parallel_loop3A_240] {strides = array<i32>} : memref<128x128xf32, #tpu.memory_space<vmem>>, vector<1x16xf32>,
        %parallel_loop3A_242 = vector.shape_cast %parallel_loop3A_241 : vector<1x16xf32> to vector<16xf32>
        %parallel_loop3A_243 = vector.shape_cast %parallel_loop3A_238 : vector<16xf32> to vector<1x16xf32>
        tpu.vector_store %arg11[%parallel_loop3A_239, %parallel_loop3A_240], %parallel_loop3A_243 {strides = array<i32>} : memref<128x128xf32, #tpu.memory_space<vmem>>, vector<1x16xf32>,
        %parallel_loop3A_244 = arith.index_cast %parallel_loop3A_159 : i32 to index
        %parallel_loop3A_245 = arith.constant 112 : index
        %parallel_loop3A_246 = tpu.vector_load %arg9[%parallel_loop3A_244, %parallel_loop3A_245] {strides = array<i32>} : memref<128x128xf32, #tpu.memory_space<vmem>>, vector<1x16xf32>,
        %parallel_loop3A_247 = vector.shape_cast %parallel_loop3A_246 : vector<1x16xf32> to vector<16xf32>
        %parallel_loop3A_248 = arith.constant 11.3137083 : f32
        %parallel_loop3A_249 = vector.broadcast %parallel_loop3A_248 : f32 to vector<16xf32>
        %parallel_loop3A_250 = arith.mulf %parallel_loop3A_247, %parallel_loop3A_249 : vector<16xf32>
        %parallel_loop3A_251 = arith.index_cast %parallel_loop3A_159 : i32 to index
        %parallel_loop3A_252 = arith.constant 112 : index
        %parallel_loop3A_253 = tpu.vector_load %arg11[%parallel_loop3A_251, %parallel_loop3A_252] {strides = array<i32>} : memref<128x128xf32, #tpu.memory_space<vmem>>, vector<1x16xf32>,
        %parallel_loop3A_254 = vector.shape_cast %parallel_loop3A_253 : vector<1x16xf32> to vector<16xf32>
        %parallel_loop3A_255 = vector.shape_cast %parallel_loop3A_250 : vector<16xf32> to vector<1x16xf32>
        tpu.vector_store %arg11[%parallel_loop3A_251, %parallel_loop3A_252], %parallel_loop3A_255 {strides = array<i32>} : memref<128x128xf32, #tpu.memory_space<vmem>>, vector<1x16xf32>,
      } {sc.loop_unroll_factor = 8 : i64, sc.parallel_access}
      %mul3A_146 = arith.constant 128 : i32
      %mul3A_147 = arith.muli %add3A_131, %mul3A_146 : i32
      %add3A_148 = arith.addi %mul3A_2, %mul3A_147 : i32
      %dma_start3A_149 = arith.constant 0 : i32
      %dma_start3A_150 = tpu.memref_slice %arg4[%add3A_148, %dma_start3A_149] : memref<819200x128xf32, #tpu.memory_space<hbm>> -> memref<128x128xf32, #tpu.memory_space<hbm>>
      %dma_start3A_151 = arith.constant 0 : i32
      %dma_start3A_152 = tpu.memref_slice %arg4[%add3A_148, %dma_start3A_151] : memref<819200x128xf32, #tpu.memory_space<hbm>> -> memref<128x128xf32, #tpu.memory_space<hbm>>
      tpu.enqueue_dma source(%arg11 : memref<128x128xf32, #tpu.memory_space<vmem>>) target(%dma_start3A_152 : memref<128x128xf32, #tpu.memory_space<hbm>>) target_semaphore(%arg17 : memref<!tpu.dma_semaphore, #tpu.memory_space<semaphore_mem>>)
      %lt3A_153 = arith.constant 196 : i32
      %lt3A_154 = arith.cmpi slt, %add3A_131, %lt3A_153 : i32
      %convert_element_type3A_155 = arith.extui %lt3A_154 : i1 to i32
      %cond3A_156 = arith.constant 0 : i32
      %cond3A_157 = arith.cmpi ne, %convert_element_type3A_155, %cond3A_156 : i32
      scf.if %cond3A_157 {
        %add3A_159 = arith.constant 4 : i32
        %add3A_160 = arith.addi %add3A_131, %add3A_159 : i32
        %dma_start3A_161 = arith.constant 0 : i32
        %dma_start3A_162 = tpu.memref_slice %arg5[%add3A_160, %dma_start3A_161] : memref<200x128xi32, #tpu.memory_space<vmem>> -> memref<1x128xi32, #tpu.memory_space<vmem>>
        %dma_start3A_163 = tpu.memref_squeeze %dma_start3A_162 : memref<1x128xi32, #tpu.memory_space<vmem>> -> memref<128xi32, #tpu.memory_space<vmem>>
        %dma_start3A_164 = arith.constant 0 : i32
        %dma_start3A_165 = arith.constant 0 : i32
        %dma_start3A_166 = tpu.memref_slice %arg2[%dma_start3A_164, %dma_start3A_165] : memref<1000000x128xf32, #tpu.memory_space<hbm>> -> memref<1000000x128xf32, #tpu.memory_space<hbm>>
        tpu.enqueue_indirect_dma source(%dma_start3A_166 : memref<1000000x128xf32, #tpu.memory_space<hbm>>) target(%arg9 : memref<128x128xf32, #tpu.memory_space<vmem>>) offsets(%dma_start3A_163 : memref<128xi32, #tpu.memory_space<vmem>>) semaphore(%arg15 : memref<!tpu.dma_semaphore, #tpu.memory_space<semaphore_mem>>)
      } else {
      }
      %scan3A_158 = arith.constant 0 : i32
      scf.yield %scan3A_158 : i32
    }
    %scan3A_35 = arith.constant 50 : i32
    %add3A_36 = arith.constant 25344 : i32
    %add3A_37 = arith.addi %mul3A_2, %add3A_36 : i32
    %dma_wait3A = arith.constant 0 : i32
    %dma_wait3A_38 = tpu.memref_slice %arg4[%add3A_37, %dma_wait3A] : memref<819200x128xf32, #tpu.memory_space<hbm>> -> memref<128x128xf32, #tpu.memory_space<hbm>>
    %dma_wait3A_39 = arith.constant 0 : i32
    %dma_wait3A_40 = tpu.memref_slice %arg4[%add3A_37, %dma_wait3A_39] : memref<819200x128xf32, #tpu.memory_space<hbm>> -> memref<128x128xf32, #tpu.memory_space<hbm>>
    tpu.wait_dma2 semaphore(%arg16 : memref<!tpu.dma_semaphore, #tpu.memory_space<semaphore_mem>>) src(%arg10 : memref<128x128xf32, #tpu.memory_space<vmem>>) dst(%dma_wait3A_40 : memref<128x128xf32, #tpu.memory_space<hbm>>)
    %add3A_41 = arith.constant 25472 : i32
    %add3A_42 = arith.addi %mul3A_2, %add3A_41 : i32
    %dma_wait3A_43 = arith.constant 0 : i32
    %dma_wait3A_44 = tpu.memref_slice %arg4[%add3A_42, %dma_wait3A_43] : memref<819200x128xf32, #tpu.memory_space<hbm>> -> memref<128x128xf32, #tpu.memory_space<hbm>>
    %dma_wait3A_45 = arith.constant 0 : i32
    %dma_wait3A_46 = tpu.memref_slice %arg4[%add3A_42, %dma_wait3A_45] : memref<819200x128xf32, #tpu.memory_space<hbm>> -> memref<128x128xf32, #tpu.memory_space<hbm>>
    tpu.wait_dma2 semaphore(%arg17 : memref<!tpu.dma_semaphore, #tpu.memory_space<semaphore_mem>>) src(%arg11 : memref<128x128xf32, #tpu.memory_space<vmem>>) dst(%dma_wait3A_46 : memref<128x128xf32, #tpu.memory_space<hbm>>)
    return
  }
}

</mosaic_0001>

<sc_bundles>
// kernel: sc_embedding_lookup.3.cloned.1.call-start
scs
__scs_entry_jumppad:
0x0: {  	(pc) =	sbr.rel $0x88, $3  }
0x1: {  	(tag) =	ssettag $0x0;
	lr =	simm.s32 $0x1  }
0x2: {  	[smem:$0x3F9F] =	sst lr;
	_ =	strace $0xD0000000  }
0x3: {  	_ = 	snop  }
0x4: {  	_ = 	snop  }
0x5: {  	_ = 	snop  }
0x6: {  	_ = 	snop  }
0x7: {  	_ = 	snop  }
__scs_overlays_trampoline_lowered:
0x8: {  	[smem:$0x3FAE] =	sst s0  }
0x9: {  	[smem:$0x3FAF] =	sst s1  }
0xa: {  	[smem:$0x3FB0] =	sst s2  }
0xb: {  	[smem:$0x3FB1] =	sst s3  }
0xc: {  	[smem:$0x3FB2] =	sst s4  }
0xd: {  	[smem:$0x3FB3] =	sst s5  }
0xe: {  	[smem:$0x3FB4] =	sst s6  }
0xf: {  	[smem:$0x3FB5] =	sst s7  }
0x10: {  	[smem:$0x3FB6] =	sst s8  }
0x11: {  	[smem:$0x3FB7] =	sst s9;
	s0 =	simm.s32 @!p0 $0x0  }
0x12: {  	s1 =	sld [smem:$0x3F9D];
	s0 =	simm.s32 @p0 $0x1  }
0x13: {  	[smem:$0x3FB8] =	sst s0;
	s0 =	simm.s32 @!p1 $0x0  }
0x14: {  	s2 =	sld [smem:$0x3F9C];
	s0 =	simm.s32 @p1 $0x1  }
0x15: {  	[smem:$0x3FB9] =	sst s0;
	s0 =	simm.s32 @!p2 $0x0  }
0x16: {  	s3 =	sld [smem:$0x3FDB];
	s0 =	simm.s32 @p2 $0x1  }
0x17: {  	s4 =	simm.s32 $0x1BF5;
	[smem:$0x3FBB] =	sst s0  }
0x18: {  	s0 =	sld [smem:$0x3F9E];
	_ =	swait.ge [sflag:s4], $0x0  }
0x19: {  	s7 =	sld [smem:$0x3F9F]  }
0x1a: {  	s8 =	sadd.s32 $0xFFFFE003, lr  }
0x1b: {  	s9 =	sadd.s32 $0xFFFFFEF7, lr;
	s5 =	simm.s32 $0xFFFFFFFF;
	p2 =	slt.u32 s8, $0xFFFFF086  }
0x1c: {  	p1 =	slt.u32 s9, $0xF7A;
	s5 =	simm.s32 @!p2 $0x0  }
0x1d: {  	s5 =	simm.s32 @p1 $0x1;
	p0 =	seq.s32 s7, s2  }
0x1e: {  	s7 =	smul.u32 @!p0 $0xF7A, s2;
	p2 =	seq.s32 @!p0 s5, $0x0  }
0x1f: {  	s9 =	smul.u32 $0xF7A, s1;
	s8 =	simm.s32 @!p0 $0x1BF5;
	p2 =	por !p2, p0  }
0x20: {  	[sflag:s8] =	ssyncset.s32 @!p0 $0xFFFFF086;
	s6 =	sadd.s32 @!p0 s3, s7;
	s7 =	simm.s32 @!p0 $0x108  }
0x21: {  	s3 =	sadd.s32 s3, s9;
	s6 =	sadd.s32 @!p0 $0x88, s6;
	s7 =	simm.s32 @p2 $0x1082  }
0x22: {  	[simem:s7], [sflag:s8] =	dma.local @!p0 [hbm:s6], $0xF7A  }
0x23: {  	s9 =	sor.u32 $0xD0000000, s2;
	s6 =	simm.s32 $0x108;
	_ =	swait.ge @!p0 [sflag:s8], $0x0  }
0x24: {  	s3 =	sadd.s32 $0x88, s3;
	s6 =	simm.s32 @!p1 $0x1082;
	[sflag:s4] =	ssyncset.s32 $0xFFFFF086  }
0x25: {  	[simem:s6], [sflag:s4] =	dma.local [hbm:s3], $0xF7A  }
0x26: {  	[smem:$0x3F9F] =	sst s1;
	(tag) =	ssettag s2;
	_ =	strace s9  }
0x27: {  	s1 =	sld [smem:$0x3FAF]  }
0x28: {  	s2 =	sld [smem:$0x3FB0]  }
0x29: {  	s4 =	sld [smem:$0x3FB2]  }
0x2a: {  	p0 =	seq.s32 s5, $0x0;
	s5 =	sld [smem:$0x3FB3]  }
0x2b: {  	s6 =	sld [smem:$0x3FB4]  }
0x2c: {  	s7 =	sld [smem:$0x3FB5]  }
0x2d: {  	s3 =	simm.s32 $0x108;
	s8 =	sld [smem:$0x3FB6]  }
0x2e: {  	s3 =	simm.s32 @!p0 $0x1082;
	s9 =	sld [smem:$0x3FB7]  }
0x2f: {  	lr =	sadd.s32 s0, s3;
	s0 =	sld [smem:$0x3FAE]  }
0x30: {  	s3 =	sld [smem:$0x3FB1]  }
0x31: {  	[smem:$0x3FBA] =	sst s10  }
0x32: {  	s10 =	sld [smem:$0x3FB8];
	_ =	sdelay $0x3  }
0x33: {  	p0 =	seq.s32 s10, $0x1;
	s10 =	sld [smem:$0x3FBA];
	_ =	sdelay $0x3  }
0x34: {  	[smem:$0x3FBA] =	sst s10  }
0x35: {  	s10 =	sld [smem:$0x3FB9];
	_ =	sdelay $0x3  }
0x36: {  	p1 =	seq.s32 s10, $0x1;
	s10 =	sld [smem:$0x3FBA];
	_ =	sdelay $0x3  }
0x37: {  	[smem:$0x3FBA] =	sst s10  }
0x38: {  	s10 =	sld [smem:$0x3FBB]  }
0x39: {  	_ = 	snop;
	(pc) =	sbr.ind lr, $3  }
0x3a: {  	_ = 	snop  }
0x3b: {  	_ = 	snop  }
0x3c: {  	p2 =	seq.s32 s10, $0x1;
	s10 =	sld [smem:$0x3FBA]  }
0x3d: {  	_ =	shalt  }
0x3e: {  	_ =	shalt  }
0x3f: {  	_ =	shalt  }
0x40: {  	_ =	shalt  }
0x41: {  	_ =	shalt  }
0x42: {  	_ =	shalt  }
0x43: {  	_ =	shalt  }
0x44: {  	_ =	shalt  }
0x45: {  	_ =	shalt  }
0x46: {  	_ =	shalt  }
0x47: {  	_ =	shalt  }
0x48: {  	_ =	shalt  }
0x49: {  	_ =	shalt  }
0x4a: {  	_ =	shalt  }
0x4b: {  	_ =	shalt  }
0x4c: {  	_ =	shalt  }
0x4d: {  	_ =	shalt  }
0x4e: {  	_ =	shalt  }
0x4f: {  	_ =	shalt  }
0x50: {  	_ =	shalt  }
0x51: {  	_ =	shalt  }
0x52: {  	_ =	shalt  }
0x53: {  	_ =	shalt  }
0x54: {  	_ =	shalt  }
0x55: {  	_ =	shalt  }
0x56: {  	_ =	shalt  }
0x57: {  	_ =	shalt  }
0x58: {  	_ =	shalt  }
0x59: {  	_ =	shalt  }
0x5a: {  	_ =	shalt  }
0x5b: {  	_ =	shalt  }
0x5c: {  	_ =	shalt  }
0x5d: {  	_ =	shalt  }
0x5e: {  	_ =	shalt  }
0x5f: {  	_ =	shalt  }
0x60: {  	_ =	shalt  }
0x61: {  	_ =	shalt  }
0x62: {  	_ =	shalt  }
0x63: {  	_ =	shalt  }
0x64: {  	_ =	shalt  }
0x65: {  	_ =	shalt  }
0x66: {  	_ =	shalt  }
0x67: {  	_ =	shalt  }
0x68: {  	_ =	shalt  }
0x69: {  	_ =	shalt  }
0x6a: {  	_ =	shalt  }
0x6b: {  	_ =	shalt  }
0x6c: {  	_ =	shalt  }
0x6d: {  	_ =	shalt  }
0x6e: {  	_ =	shalt  }
0x6f: {  	_ =	shalt  }
0x70: {  	_ =	shalt  }
0x71: {  	_ =	shalt  }
0x72: {  	_ =	shalt  }
0x73: {  	_ =	shalt  }
0x74: {  	_ =	shalt  }
0x75: {  	_ =	shalt  }
0x76: {  	_ =	shalt  }
0x77: {  	_ =	shalt  }
0x78: {  	_ =	shalt  }
0x79: {  	_ =	shalt  }
0x7a: {  	_ =	shalt  }
0x7b: {  	_ =	shalt  }
0x7c: {  	_ =	shalt  }
0x7d: {  	_ =	shalt  }
0x7e: {  	_ =	shalt  }
0x7f: {  	_ =	shalt  }
0x80: {  	_ =	shalt  }
0x81: {  	_ =	shalt  }
0x82: {  	_ =	shalt  }
0x83: {  	_ =	shalt  }
0x84: {  	_ =	shalt  }
0x85: {  	_ =	shalt  }
0x86: {  	_ =	shalt  }
0x87: {  	_ =	shalt  }
.Lfunc_end0:
.L_simem_size_0:
called_computation_lowered:
.L_overlay_start_0:
0x88: {  	s2 =	sld [smem:$0x3FD9]  }
0x89: {  	s3 =	sld [smem:$0x3FFE];
	_ =	sdelay $0x1  }
0x8a: {  	s1 =	srdreg.scid  }
0x8b: {  	s0 =	sand.u32 $0x1, s1  }
0x8c: {  	s17 =	sshll.u32 s0, $0xA;
	s2 =	sadd.s32 s3, s2  }
0x8d: {  	s2 =	sadd.s32 s2, s17  }
0x8e: {  	[smem:$0x3FC6] =	sst s2  }
0x8f: {  	_ = 	snop  }
0x90: {  	s2 =	sld [smem:$0x3FC8]  }
0x91: {  	s18 =	sld [smem:$0x3FD0];
	(tm) =	ssettm $0x1  }
0x92: {  	s4 =	sld [smem:$0x3FFB];
	_ =	sdelay $0x3  }
0x93: {  	_ =	strace s4  }
0x94: {  	s4 =	sld [smem:$0x3FFC];
	_ =	sdelay $0x3  }
0x95: {  	_ =	strace s4  }
0x96: {  	s4 =	sld [smem:$0x3FFD];
	_ =	sdelay $0x3  }
0x97: {  	_ =	strace s4  }
0x98: {  	_ =	strace $0x8FFFFFFF  }
0x99: {  	s19 =	sld [smem:$0x3FDB];
	_ =	sdelay $0x1  }
0x9a: {  	s5 =	simm.s32 $_scs_section_size  }
0x9b: {  	s6 =	simm.s32 $_size__tile_overlayer_lowered;
	s7 =	simm.s32 $_tile_overlayer_lowered  }
0x9c: {  	s22 =	simm.s32 $0x1BFF;
	s21 =	sshll.u32 s7, $0x1;
	s4 =	sadd.s32 s5, s19  }
0x9d: {  	s8 =	simm.s32 $0x0;
	s20 =	sshll.u32 s6, $0x1;
	s6 =	sadd.s32 s21, s4  }
0x9e: {  	[timem:s8], [sflag:s22] =	dma.local [hbm:s6], s20  }
0x9f: {  	_ =	swait.ge [sflag:s22], s20  }
0xa0: {  	s5 =	ssub.s32 $0x0, s20;
	[sflag:s22] =	ssyncset.done $0x0  }
0xa1: {  	[sflag:s22] =	ssyncadd.s32 s5;
	_ =	sdelay $0x1  }
0xa2: {  	s23 =	simm.s32 $0x1B8B  }
0xa3: {  	_ =	swait.ge [sflag:s23], $0x1  }
0xa4: {  	[sflag:s23] =	ssyncset.done $0x0  }
0xa5: {  	s25 =	simm.s32 $0x1B8E;
	s24 =	sld [smem:$0x3FFE];
	[sflag:s23] =	ssyncadd.s32 $0xFFFFFFFF  }
0xa6: {  	s26 =	simm.s32 $execute0_lowered;
	[smem:$0x3FD2] =	sst s25  }
0xa7: {  	s6 =	sshll.u32 s26, $0x1;
	_ =	strace $0x80000046;
	[dreg:$0x1] =	wrdreg $0xFFFFFFFF  }
0xa8: {  	s28 =	simm.s32 $_size_execute0_lowered;
	s4 =	sadd.s32 s4, s6;
	[dreg:$0x0] =	wrdreg $0x0  }
0xa9: {  	s6 =	sshll.u32 s28, $0x1;
	[dreg:$0x2] =	wrdreg s4  }
0xaa: {  	[dreg:$0x3] =	wrdreg s6  }
0xab: {  	[dreg:$0x4] =	wrdreg $0xC0  }
0xac: {  	_ =	task [dreg:s8], $0x5FFFF  }
0xad: {  	[dreg:$0x1] =	wrdreg $0xFFFFFFFF  }
0xae: {  	[dreg:$0x0] =	wrdreg $0x60  }
0xaf: {  	[dreg:$0x2] =	wrdreg s2  }
0xb0: {  	[dreg:$0x3] =	wrdreg s24  }
0xb1: {  	[dreg:$0x4] =	wrdreg s18  }
0xb2: {  	[dreg:$0x5] =	wrdreg $0x9  }
0xb3: {  	_ =	task.clear_ibuf [dreg:s8], $0x6FFFF;
	_ =	strace $0x90000046  }
0xb4: {  	s29 =	simm.s32 $0x9;
	_ =	strace $0x80000048  }
0xb5: {  	_ =	swait.ge [sflag:s29], $0x1  }
0xb6: {  	[sflag:s29] =	ssyncadd.s32 $0xFFFFFFFF  }
0xb7: {  	_ =	strace $0x90000048  }
0xb8: {  	_ =	sfence  }
0xb9: {  	s30 =	sld [smem:$0x0];
	_ =	sdelay $0x2  }
0xba: {  	s31 =	sshll.u32 s1, $0xD;
	s1 =	sshrl.u32 s1, $0x2  }
0xbb: {  	s3 =	sand.u32 $0x4000, s31;
	s1 =	sadd.s32 s1, s30  }
0xbc: {  	s0 =	sor.u32 s3, s0;
	s1 =	sshll.u32 s1, $0x11  }
0xbd: {  	s0 =	sor.u32 s1, s0  }
0xbe: {  	s0 =	sadd.s32 $0x8F2B, s0  }
0xbf: {  	[sflag:s0] =	ssyncadd.remote.s32 $0x1  }
0xc0: {  	_ =	sfence.sel $0xFFFF  }
0xc1: {  	[dreg:$0x0] =	wrdreg $0xFFFFFFFF;
	(pc) =	sbr.abs _section_cstart, $3  }
0xc2: {  	[dreg:$0x1] =	wrdreg $0xFFFFFFFF  }
0xc3: {  	_ =	task.clear_ibuf [dreg:s8], $0x2FFFF;
	_ =	strace $0x9FFFFFFF  }
0xc4: {  	(tm) =	ssettm $0x7FFFFFFF  }
0xc5: {  	_ =	shalt  }
tec
execute0_lowered:
.L_overlay_start_1:
0x0: {  	(tag) =	ssettag $0x1  }
0x1: {  	s1 =	rddreg [dreg:$0x0]  }
0x2: {  	s0 =	srdreg.scid;
	s3 =	stileid.u32  }
0x3: {  	s2 =	rddreg [dreg:$0x1];
	s11 =	simm.s32 $0x7;
	s12 =	simm.s32 $0x80  }
0x4: {  	s13 =	simm.s32 $0x6400;
	s15 =	simm.s32 $0x100;
	s16 =	simm.s32 $0xE400  }
0x5: {  	s17 =	simm.s32 $0x180;
	s18 =	simm.s32 $0x12400;
	s19 =	simm.s32 $0x1  }
0x6: {  	s20 =	simm.s32 $0x16400;
	s21 =	simm.s32 $0x2;
	s22 =	simm.s32 $0x6  }
0x7: {  	s23 =	simm.s32 $0x1A400;
	s0 =	sand.u32 $0x1, s0;
	s4 =	sshll.u32 s3, $0x1  }
0x8: {  	s24 =	simm.s32 $0x3;
	s25 =	simm.s32 $0x5;
	s5 =	sor.u32 s0, s4  }
0x9: {  	s26 =	simm.s32 $0x4;
	s28 =	simm.s32 $0x0;
	s6 =	smul.u32 $0xC80, s5  }
.Ltmp0:
0xa: {  	s4 =	simm.s32 $0x0;
	s0 =	ssub.s32 $0x2, s0;
	(pc) =	sbr.rel .LBB2_1-.Ltmp0, $4  }
0xb: {  	[smem:$0x7FF] =	sst s4;
	s31 =	sshrl.u32 s0, $0x1;
	s5 =	smul.u32 $0x320000, s5  }
0xc: {  	s3 =	rddreg [dreg:$0x2];
	_ =	strace $0x80000047;
	s0 =	ssub.s32 s0, s31  }
0xd: {  	s2 =	sadd.s32 s6, s2;
	s7 =	sor.u32 $0x4000, s5;
	s8 =	sor.u32 $0x8000, s5  }
0xe: {  	s9 =	sor.u32 $0xC000, s5;
	s10 =	smax.u32 s0, $0x1;
	s6 =	sadd.s32 $0x400, s2  }
.LBB2_16:
0xf: {  	s28 =	sadd.s32 $0x1, s28  }
0x10: {  	_ =	swait.ge [sflag:s25], $0x4000;
	p0 =	sne.s32 s28, s10  }
.Ltmp1:
0x11: {  	[sflag:s25] =	ssyncset.done $0x0;
	(pc) =	sbr.rel @!p0 .LBB2_17-.Ltmp1, $4  }
0x12: {  	[sflag:s25] =	ssyncadd.s32 $0xFFFFC000  }
0x13: {  	_ =	swait.ge [sflag:s22], $0x4000  }
0x14: {  	[sflag:s22] =	ssyncset.done $0x0  }
0x15: {  	[sflag:s22] =	ssyncadd.s32 $0xFFFFC000  }
.LBB2_1:
0x16: {  	[tilespmem:s4], [sflag:$0x7] =	stream.linear.gather [hbm4b:s6+s4], $0x6400, $0x38;
	[tilespmem:$0x1E400] =	vst v63  }
0x17: {  	_ =	swait.ge [sflag:s11], $0x6400  }
0x18: {  	[sflag:s11] =	ssyncset.done $0x0  }
0x19: {  	[sflag:s11] =	ssyncadd.s32 $0xFFFF9C00  }
0x1a: {  	[tilespmem:s13], [sflag:$0x1] =	stream.indirect.gather [hbm4b:s1+s12], $0x80, s4, s12, $0xb8;
	[tilespmem:$0x1E400] =	vst v63  }
0x1b: {  	s0 =	simm.s32 $0xA400  }
0x1c: {  	[tilespmem:s0], [sflag:$0x2] =	stream.indirect.gather [hbm4b:s1+s12], $0x80, s12, s12, $0xb8;
	[tilespmem:$0x1E400] =	vst v63  }
0x1d: {  	_ = 	snop  }
0x1e: {  	[tilespmem:s16], [sflag:$0x3] =	stream.indirect.gather [hbm4b:s1+s12], $0x80, s15, s12, $0xb8;
	[tilespmem:$0x1E400] =	vst v63  }
0x1f: {  	s29 =	simm.s32 $0x0  }
0x20: {  	[tilespmem:s18], [sflag:$0x4] =	stream.indirect.gather [hbm4b:s1+s12], $0x80, s17, s12, $0xb8;
	[tilespmem:$0x1E400] =	vst v63  }
.LBB2_2:
0x21: {  	_ =	swait.ge [sflag:s19], $0x4000  }
0x22: {  	p0 =	seq.s32 s29, $0x0;
	[sflag:s19] =	ssyncset.done $0x0  }
0x23: {  	s0 =	simm.s32 @!p0 $0x5;
	[sflag:s19] =	ssyncadd.s32 $0xFFFFC000  }
0x24: {  	_ =	swait.ge @!p0 [sflag:s0], $0x4000  }
0x25: {  	[sflag:s0] =	ssyncset.done @!p0 $0x0  }
0x26: {  	s30 =	simm.s32 $0x6600;
	[sflag:s0] =	ssyncadd.s32 @!p0 $0xFFFFC000  }
0x27: {  	v0 =	vld [tilespmem:s30+$0x180]  }
0x28: {  	v1 =	vld [tilespmem:s30+$0xFFFFFE80]  }
0x29: {  	v2 =	vld [tilespmem:s30+$0xFFFFFF00]  }
0x2a: {  	v3 =	vld [tilespmem:s30+$0xFFFFFF80]  }
0x2b: {  	v4 =	vld [tilespmem:s30+$0x0]  }
0x2c: {  	v5 =	vld [tilespmem:s30+$0x80];
	v0 =	vmul.f32 $1.131370830e+01, v0  }
0x2d: {  	s31 =	simm.s32 $0x16600;
	v6 =	vld [tilespmem:s30+$0x100];
	v1 =	vmul.f32 $1.131370830e+01, v1  }
0x2e: {  	v7 =	vld [tilespmem:s30+$0xFFFFFE00];
	v2 =	vmul.f32 $1.131370830e+01, v2;
	[tilespmem:s31+$0x180] =	vst v0  }
0x2f: {  	[tilespmem:s31+$0xFFFFFE80] =	vst v1;
	v0 =	vmul.f32 $1.131370830e+01, v3;
	v1 =	vld [tilespmem:s30+$0x190]  }
0x30: {  	[tilespmem:s31+$0xFFFFFF00] =	vst v2;
	v2 =	vmul.f32 $1.131370830e+01, v4;
	v3 =	vld [tilespmem:s30+$0xFFFFFE90]  }
0x31: {  	v4 =	vld [tilespmem:s30+$0xFFFFFF10];
	[tilespmem:s31+$0xFFFFFF80] =	vst v0;
	v0 =	vmul.f32 $1.131370830e+01, v5  }
0x32: {  	[tilespmem:s31+$0x0] =	vst v2;
	v2 =	vmul.f32 $1.131370830e+01, v6;
	v5 =	vld [tilespmem:s30+$0xFFFFFF90]  }
0x33: {  	v6 =	vmul.f32 $1.131370830e+01, v7;
	v7 =	vld [tilespmem:s30+$0x10];
	[tilespmem:s31+$0x80] =	vst v0  }
0x34: {  	[tilespmem:s31+$0x100] =	vst v2;
	v0 =	vld [tilespmem:s30+$0x90];
	v1 =	vmul.f32 $1.131370830e+01, v1  }
0x35: {  	[tilespmem:s31+$0xFFFFFE00] =	vst v6;
	v2 =	vmul.f32 $1.131370830e+01, v3;
	v3 =	vld [tilespmem:s30+$0x110]  }
0x36: {  	v6 =	vld [tilespmem:s30+$0xFFFFFE10];
	v4 =	vmul.f32 $1.131370830e+01, v4;
	[tilespmem:s31+$0x190] =	vst v1  }
0x37: {  	[tilespmem:s31+$0xFFFFFE90] =	vst v2;
	v1 =	vmul.f32 $1.131370830e+01, v5;
	v2 =	vld [tilespmem:s30+$0x1A0]  }
0x38: {  	[tilespmem:s31+$0xFFFFFF10] =	vst v4;
	v4 =	vmul.f32 $1.131370830e+01, v7;
	v5 =	vld [tilespmem:s30+$0xFFFFFEA0]  }
0x39: {  	v7 =	vld [tilespmem:s30+$0xFFFFFF20];
	[tilespmem:s31+$0xFFFFFF90] =	vst v1;
	v0 =	vmul.f32 $1.131370830e+01, v0  }
0x3a: {  	[tilespmem:s31+$0x10] =	vst v4;
	v1 =	vld [tilespmem:s30+$0xFFFFFFA0];
	v3 =	vmul.f32 $1.131370830e+01, v3  }
0x3b: {  	v4 =	vmul.f32 $1.131370830e+01, v6;
	v6 =	vld [tilespmem:s30+$0x20];
	[tilespmem:s31+$0x90] =	vst v0  }
0x3c: {  	v0 =	vld [tilespmem:s30+$0xA0];
	[tilespmem:s31+$0x110] =	vst v3;
	v2 =	vmul.f32 $1.131370830e+01, v2  }
0x3d: {  	[tilespmem:s31+$0xFFFFFE10] =	vst v4;
	v3 =	vmul.f32 $1.131370830e+01, v5;
	v4 =	vld [tilespmem:s30+$0x120]  }
0x3e: {  	v5 =	vld [tilespmem:s30+$0xFFFFFE20];
	v7 =	vmul.f32 $1.131370830e+01, v7;
	[tilespmem:s31+$0x1A0] =	vst v2  }
0x3f: {  	[tilespmem:s31+$0xFFFFFEA0] =	vst v3;
	v1 =	vmul.f32 $1.131370830e+01, v1;
	v2 =	vld [tilespmem:s30+$0x1B0]  }
0x40: {  	[tilespmem:s31+$0xFFFFFF20] =	vst v7;
	v6 =	vmul.f32 $1.131370830e+01, v6;
	v3 =	vld [tilespmem:s30+$0xFFFFFEB0]  }
0x41: {  	v7 =	vld [tilespmem:s30+$0xFFFFFF30];
	[tilespmem:s31+$0xFFFFFFA0] =	vst v1;
	v0 =	vmul.f32 $1.131370830e+01, v0  }
0x42: {  	[tilespmem:s31+$0x20] =	vst v6;
	v1 =	vld [tilespmem:s30+$0xFFFFFFB0];
	v4 =	vmul.f32 $1.131370830e+01, v4  }
0x43: {  	v5 =	vmul.f32 $1.131370830e+01, v5;
	v6 =	vld [tilespmem:s30+$0x30];
	[tilespmem:s31+$0xA0] =	vst v0  }
0x44: {  	v0 =	vld [tilespmem:s30+$0xB0];
	[tilespmem:s31+$0x120] =	vst v4;
	v2 =	vmul.f32 $1.131370830e+01, v2  }
0x45: {  	[tilespmem:s31+$0xFFFFFE20] =	vst v5;
	v3 =	vmul.f32 $1.131370830e+01, v3;
	v4 =	vld [tilespmem:s30+$0x130]  }
0x46: {  	v5 =	vld [tilespmem:s30+$0xFFFFFE30];
	v7 =	vmul.f32 $1.131370830e+01, v7;
	[tilespmem:s31+$0x1B0] =	vst v2  }
0x47: {  	[tilespmem:s31+$0xFFFFFEB0] =	vst v3;
	v1 =	vmul.f32 $1.131370830e+01, v1;
	v2 =	vld [tilespmem:s30+$0x1C0]  }
0x48: {  	[tilespmem:s31+$0xFFFFFF30] =	vst v7;
	v6 =	vmul.f32 $1.131370830e+01, v6;
	v3 =	vld [tilespmem:s30+$0xFFFFFEC0]  }
0x49: {  	v7 =	vld [tilespmem:s30+$0xFFFFFF40];
	[tilespmem:s31+$0xFFFFFFB0] =	vst v1;
	v0 =	vmul.f32 $1.131370830e+01, v0  }
0x4a: {  	[tilespmem:s31+$0x30] =	vst v6;
	v1 =	vld [tilespmem:s30+$0xFFFFFFC0];
	v4 =	vmul.f32 $1.131370830e+01, v4  }
0x4b: {  	v5 =	vmul.f32 $1.131370830e+01, v5;
	v6 =	vld [tilespmem:s30+$0x40];
	[tilespmem:s31+$0xB0] =	vst v0  }
0x4c: {  	v0 =	vld [tilespmem:s30+$0xC0];
	[tilespmem:s31+$0x130] =	vst v4;
	v2 =	vmul.f32 $1.131370830e+01, v2  }
0x4d: {  	[tilespmem:s31+$0xFFFFFE30] =	vst v5;
	v3 =	vmul.f32 $1.131370830e+01, v3;
	v4 =	vld [tilespmem:s30+$0x140]  }
0x4e: {  	v5 =	vld [tilespmem:s30+$0xFFFFFE40];
	v7 =	vmul.f32 $1.131370830e+01, v7;
	[tilespmem:s31+$0x1C0] =	vst v2  }
0x4f: {  	[tilespmem:s31+$0xFFFFFEC0] =	vst v3;
	v1 =	vmul.f32 $1.131370830e+01, v1;
	v2 =	vld [tilespmem:s30+$0x1D0]  }
0x50: {  	[tilespmem:s31+$0xFFFFFF40] =	vst v7;
	v6 =	vmul.f32 $1.131370830e+01, v6;
	v3 =	vld [tilespmem:s30+$0xFFFFFED0]  }
0x51: {  	v7 =	vld [tilespmem:s30+$0xFFFFFF50];
	[tilespmem:s31+$0xFFFFFFC0] =	vst v1;
	v0 =	vmul.f32 $1.131370830e+01, v0  }
0x52: {  	[tilespmem:s31+$0x40] =	vst v6;
	v1 =	vld [tilespmem:s30+$0xFFFFFFD0];
	v4 =	vmul.f32 $1.131370830e+01, v4  }
0x53: {  	v5 =	vmul.f32 $1.131370830e+01, v5;
	v6 =	vld [tilespmem:s30+$0x50];
	[tilespmem:s31+$0xC0] =	vst v0  }
0x54: {  	v0 =	vld [tilespmem:s30+$0xD0];
	[tilespmem:s31+$0x140] =	vst v4;
	v2 =	vmul.f32 $1.131370830e+01, v2  }
0x55: {  	[tilespmem:s31+$0xFFFFFE40] =	vst v5;
	v3 =	vmul.f32 $1.131370830e+01, v3;
	v4 =	vld [tilespmem:s30+$0x150]  }
0x56: {  	v5 =	vld [tilespmem:s30+$0xFFFFFE50];
	v7 =	vmul.f32 $1.131370830e+01, v7;
	[tilespmem:s31+$0x1D0] =	vst v2  }
0x57: {  	[tilespmem:s31+$0xFFFFFED0] =	vst v3;
	v1 =	vmul.f32 $1.131370830e+01, v1;
	v2 =	vld [tilespmem:s30+$0x1E0]  }
0x58: {  	[tilespmem:s31+$0xFFFFFF50] =	vst v7;
	v6 =	vmul.f32 $1.131370830e+01, v6;
	v3 =	vld [tilespmem:s30+$0xFFFFFEE0]  }
0x59: {  	v7 =	vld [tilespmem:s30+$0xFFFFFF60];
	[tilespmem:s31+$0xFFFFFFD0] =	vst v1;
	v0 =	vmul.f32 $1.131370830e+01, v0  }
0x5a: {  	[tilespmem:s31+$0x50] =	vst v6;
	v1 =	vld [tilespmem:s30+$0xFFFFFFE0];
	v4 =	vmul.f32 $1.131370830e+01, v4  }
0x5b: {  	v5 =	vmul.f32 $1.131370830e+01, v5;
	v6 =	vld [tilespmem:s30+$0x60];
	[tilespmem:s31+$0xD0] =	vst v0  }
0x5c: {  	v0 =	vld [tilespmem:s30+$0xE0];
	[tilespmem:s31+$0x150] =	vst v4;
	v2 =	vmul.f32 $1.131370830e+01, v2  }
0x5d: {  	[tilespmem:s31+$0xFFFFFE50] =	vst v5;
	v3 =	vmul.f32 $1.131370830e+01, v3;
	v4 =	vld [tilespmem:s30+$0x160]  }
0x5e: {  	v5 =	vld [tilespmem:s30+$0xFFFFFE60];
	v7 =	vmul.f32 $1.131370830e+01, v7;
	[tilespmem:s31+$0x1E0] =	vst v2  }
0x5f: {  	[tilespmem:s31+$0xFFFFFEE0] =	vst v3;
	v1 =	vmul.f32 $1.131370830e+01, v1;
	v3 =	vld [tilespmem:s30+$0x1F0]  }
0x60: {  	[tilespmem:s31+$0xFFFFFF60] =	vst v7;
	v2 =	vmul.f32 $1.131370830e+01, v6;
	v8 =	vld [tilespmem:s30+$0xFFFFFEF0]  }
0x61: {  	v7 =	vld [tilespmem:s30+$0xFFFFFF70];
	[tilespmem:s31+$0xFFFFFFE0] =	vst v1;
	v1 =	vmul.f32 $1.131370830e+01, v0  }
0x62: {  	[tilespmem:s31+$0x60] =	vst v2;
	v0 =	vld [tilespmem:s30+$0xFFFFFFF0];
	v4 =	vmul.f32 $1.131370830e+01, v4  }
0x63: {  	v5 =	vmul.f32 $1.131370830e+01, v5;
	v2 =	vld [tilespmem:s30+$0x70];
	[tilespmem:s31+$0xE0] =	vst v1  }
0x64: {  	v1 =	vld [tilespmem:s30+$0xF0];
	[tilespmem:s31+$0x160] =	vst v4;
	v9 =	vmul.f32 $1.131370830e+01, v3  }
0x65: {  	[tilespmem:s31+$0xFFFFFE60] =	vst v5;
	v3 =	vld [tilespmem:s30+$0x170];
	v6 =	vmul.f32 $1.131370830e+01, v8  }
0x66: {  	s2 =	simm.s32 $0x0;
	s0 =	simm.s32 $0x6A00;
	v4 =	vld [tilespmem:s30+$0xFFFFFE70];
	v5 =	vmul.f32 $1.131370830e+01, v7;
	[tilespmem:s31+$0x1F0] =	vst v9  }
.LBB2_3:
0x67: {  	v7 =	vld [tilespmem:s0+$0x180];
	s2 =	sadd.s32 $0x8, s2;
	[tilespmem:s31+$0xFFFFFEF0] =	vst v6;
	v0 =	vmul.f32 $1.131370830e+01, v0  }
0x68: {  	v6 =	vld [tilespmem:s0+$0xFFFFFE80];
	p1 =	slt.u32 s2, $0x78;
	[tilespmem:s31+$0xFFFFFF70] =	vst v5;
	v2 =	vmul.f32 $1.131370830e+01, v2  }
0x69: {  	v5 =	vld [tilespmem:s0+$0xFFFFFF00];
	[tilespmem:s31+$0xFFFFFFF0] =	vst v0;
	v0 =	vmul.f32 $1.131370830e+01, v1  }
0x6a: {  	v1 =	vld [tilespmem:s0+$0xFFFFFF80];
	[tilespmem:s31+$0x70] =	vst v2;
	v2 =	vmul.f32 $1.131370830e+01, v3  }
0x6b: {  	v3 =	vld [tilespmem:s0+$0x0];
	v4 =	vmul.f32 $1.131370830e+01, v4;
	[tilespmem:s31+$0xF0] =	vst v0  }
0x6c: {  	v0 =	vld [tilespmem:s0+$0x80];
	v7 =	vmul.f32 $1.131370830e+01, v7;
	[tilespmem:s31+$0x170] =	vst v2  }
0x6d: {  	v2 =	vmul.f32 $1.131370830e+01, v6;
	v6 =	vld [tilespmem:s0+$0x100];
	[tilespmem:s31+$0xFFFFFE70] =	vst v4;
	s31 =	sadd.s32 $0x400, s31  }
0x6e: {  	v4 =	vld [tilespmem:s0+$0xFFFFFE00];
	v5 =	vmul.f32 $1.131370830e+01, v5;
	[tilespmem:s31+$0x180] =	vst v7  }
0x6f: {  	[tilespmem:s31+$0xFFFFFE80] =	vst v2;
	v1 =	vmul.f32 $1.131370830e+01, v1;
	v2 =	vld [tilespmem:s0+$0x190]  }
0x70: {  	v7 =	vld [tilespmem:s0+$0xFFFFFE90];
	[tilespmem:s31+$0xFFFFFF00] =	vst v5;
	v3 =	vmul.f32 $1.131370830e+01, v3  }
0x71: {  	v5 =	vld [tilespmem:s0+$0xFFFFFF10];
	[tilespmem:s31+$0xFFFFFF80] =	vst v1;
	v0 =	vmul.f32 $1.131370830e+01, v0  }
0x72: {  	v1 =	vld [tilespmem:s0+$0xFFFFFF90];
	[tilespmem:s31+$0x0] =	vst v3;
	v3 =	vmul.f32 $1.131370830e+01, v6  }
0x73: {  	v4 =	vmul.f32 $1.131370830e+01, v4;
	v6 =	vld [tilespmem:s0+$0x10];
	[tilespmem:s31+$0x80] =	vst v0  }
0x74: {  	v0 =	vld [tilespmem:s0+$0x90];
	[tilespmem:s31+$0x100] =	vst v3;
	v2 =	vmul.f32 $1.131370830e+01, v2  }
0x75: {  	[tilespmem:s31+$0xFFFFFE00] =	vst v4;
	v3 =	vmul.f32 $1.131370830e+01, v7;
	v4 =	vld [tilespmem:s0+$0x110]  }
0x76: {  	v7 =	vld [tilespmem:s0+$0xFFFFFE10];
	v5 =	vmul.f32 $1.131370830e+01, v5;
	[tilespmem:s31+$0x190] =	vst v2  }
0x77: {  	[tilespmem:s31+$0xFFFFFE90] =	vst v3;
	v1 =	vmul.f32 $1.131370830e+01, v1;
	v2 =	vld [tilespmem:s0+$0x1A0]  }
0x78: {  	v3 =	vld [tilespmem:s0+$0xFFFFFEA0];
	[tilespmem:s31+$0xFFFFFF10] =	vst v5;
	v5 =	vmul.f32 $1.131370830e+01, v6  }
0x79: {  	v6 =	vld [tilespmem:s0+$0xFFFFFF20];
	[tilespmem:s31+$0xFFFFFF90] =	vst v1;
	v0 =	vmul.f32 $1.131370830e+01, v0  }
0x7a: {  	v1 =	vld [tilespmem:s0+$0xFFFFFFA0];
	[tilespmem:s31+$0x10] =	vst v5;
	v4 =	vmul.f32 $1.131370830e+01, v4  }
0x7b: {  	v5 =	vmul.f32 $1.131370830e+01, v7;
	v7 =	vld [tilespmem:s0+$0x20];
	[tilespmem:s31+$0x90] =	vst v0  }
0x7c: {  	v0 =	vld [tilespmem:s0+$0xA0];
	[tilespmem:s31+$0x110] =	vst v4;
	v2 =	vmul.f32 $1.131370830e+01, v2  }
0x7d: {  	[tilespmem:s31+$0xFFFFFE10] =	vst v5;
	v3 =	vmul.f32 $1.131370830e+01, v3;
	v4 =	vld [tilespmem:s0+$0x120]  }
0x7e: {  	v5 =	vld [tilespmem:s0+$0xFFFFFE20];
	v6 =	vmul.f32 $1.131370830e+01, v6;
	[tilespmem:s31+$0x1A0] =	vst v2  }
0x7f: {  	[tilespmem:s31+$0xFFFFFEA0] =	vst v3;
	v1 =	vmul.f32 $1.131370830e+01, v1;
	v2 =	vld [tilespmem:s0+$0x1B0]  }
0x80: {  	v3 =	vld [tilespmem:s0+$0xFFFFFEB0];
	[tilespmem:s31+$0xFFFFFF20] =	vst v6;
	v6 =	vmul.f32 $1.131370830e+01, v7  }
0x81: {  	v7 =	vld [tilespmem:s0+$0xFFFFFF30];
	[tilespmem:s31+$0xFFFFFFA0] =	vst v1;
	v0 =	vmul.f32 $1.131370830e+01, v0  }
0x82: {  	v1 =	vld [tilespmem:s0+$0xFFFFFFB0];
	[tilespmem:s31+$0x20] =	vst v6;
	v4 =	vmul.f32 $1.131370830e+01, v4  }
0x83: {  	v5 =	vmul.f32 $1.131370830e+01, v5;
	v6 =	vld [tilespmem:s0+$0x30];
	[tilespmem:s31+$0xA0] =	vst v0  }
0x84: {  	v0 =	vld [tilespmem:s0+$0xB0];
	[tilespmem:s31+$0x120] =	vst v4;
	v2 =	vmul.f32 $1.131370830e+01, v2  }
0x85: {  	[tilespmem:s31+$0xFFFFFE20] =	vst v5;
	v3 =	vmul.f32 $1.131370830e+01, v3;
	v4 =	vld [tilespmem:s0+$0x130]  }
0x86: {  	v5 =	vld [tilespmem:s0+$0xFFFFFE30];
	v7 =	vmul.f32 $1.131370830e+01, v7;
	[tilespmem:s31+$0x1B0] =	vst v2  }
0x87: {  	[tilespmem:s31+$0xFFFFFEB0] =	vst v3;
	v1 =	vmul.f32 $1.131370830e+01, v1;
	v2 =	vld [tilespmem:s0+$0x1C0]  }
0x88: {  	v3 =	vld [tilespmem:s0+$0xFFFFFEC0];
	[tilespmem:s31+$0xFFFFFF30] =	vst v7;
	v6 =	vmul.f32 $1.131370830e+01, v6  }
0x89: {  	v7 =	vld [tilespmem:s0+$0xFFFFFF40];
	[tilespmem:s31+$0xFFFFFFB0] =	vst v1;
	v0 =	vmul.f32 $1.131370830e+01, v0  }
0x8a: {  	v1 =	vld [tilespmem:s0+$0xFFFFFFC0];
	[tilespmem:s31+$0x30] =	vst v6;
	v4 =	vmul.f32 $1.131370830e+01, v4  }
0x8b: {  	v5 =	vmul.f32 $1.131370830e+01, v5;
	v6 =	vld [tilespmem:s0+$0x40];
	[tilespmem:s31+$0xB0] =	vst v0  }
0x8c: {  	v0 =	vld [tilespmem:s0+$0xC0];
	[tilespmem:s31+$0x130] =	vst v4;
	v2 =	vmul.f32 $1.131370830e+01, v2  }
0x8d: {  	[tilespmem:s31+$0xFFFFFE30] =	vst v5;
	v3 =	vmul.f32 $1.131370830e+01, v3;
	v4 =	vld [tilespmem:s0+$0x140]  }
0x8e: {  	v5 =	vld [tilespmem:s0+$0xFFFFFE40];
	v7 =	vmul.f32 $1.131370830e+01, v7;
	[tilespmem:s31+$0x1C0] =	vst v2  }
0x8f: {  	[tilespmem:s31+$0xFFFFFEC0] =	vst v3;
	v1 =	vmul.f32 $1.131370830e+01, v1;
	v2 =	vld [tilespmem:s0+$0x1D0]  }
0x90: {  	v3 =	vld [tilespmem:s0+$0xFFFFFED0];
	[tilespmem:s31+$0xFFFFFF40] =	vst v7;
	v6 =	vmul.f32 $1.131370830e+01, v6  }
0x91: {  	v7 =	vld [tilespmem:s0+$0xFFFFFF50];
	[tilespmem:s31+$0xFFFFFFC0] =	vst v1;
	v0 =	vmul.f32 $1.131370830e+01, v0  }
0x92: {  	v1 =	vld [tilespmem:s0+$0xFFFFFFD0];
	[tilespmem:s31+$0x40] =	vst v6;
	v4 =	vmul.f32 $1.131370830e+01, v4  }
0x93: {  	v5 =	vmul.f32 $1.131370830e+01, v5;
	v6 =	vld [tilespmem:s0+$0x50];
	[tilespmem:s31+$0xC0] =	vst v0  }
0x94: {  	v0 =	vld [tilespmem:s0+$0xD0];
	[tilespmem:s31+$0x140] =	vst v4;
	v2 =	vmul.f32 $1.131370830e+01, v2  }
0x95: {  	[tilespmem:s31+$0xFFFFFE40] =	vst v5;
	v3 =	vmul.f32 $1.131370830e+01, v3;
	v4 =	vld [tilespmem:s0+$0x150]  }
0x96: {  	v5 =	vld [tilespmem:s0+$0xFFFFFE50];
	v7 =	vmul.f32 $1.131370830e+01, v7;
	[tilespmem:s31+$0x1D0] =	vst v2  }
0x97: {  	[tilespmem:s31+$0xFFFFFED0] =	vst v3;
	v1 =	vmul.f32 $1.131370830e+01, v1;
	v2 =	vld [tilespmem:s0+$0x1E0]  }
0x98: {  	v3 =	vld [tilespmem:s0+$0xFFFFFEE0];
	[tilespmem:s31+$0xFFFFFF50] =	vst v7;
	v6 =	vmul.f32 $1.131370830e+01, v6  }
0x99: {  	v7 =	vld [tilespmem:s0+$0xFFFFFF60];
	[tilespmem:s31+$0xFFFFFFD0] =	vst v1;
	v0 =	vmul.f32 $1.131370830e+01, v0  }
0x9a: {  	v1 =	vld [tilespmem:s0+$0xFFFFFFE0];
	[tilespmem:s31+$0x50] =	vst v6;
	v4 =	vmul.f32 $1.131370830e+01, v4  }
0x9b: {  	v5 =	vmul.f32 $1.131370830e+01, v5;
	v6 =	vld [tilespmem:s0+$0x60];
	[tilespmem:s31+$0xD0] =	vst v0  }
0x9c: {  	v0 =	vld [tilespmem:s0+$0xE0];
	[tilespmem:s31+$0x150] =	vst v4;
	v2 =	vmul.f32 $1.131370830e+01, v2  }
0x9d: {  	[tilespmem:s31+$0xFFFFFE50] =	vst v5;
	v3 =	vmul.f32 $1.131370830e+01, v3;
	v4 =	vld [tilespmem:s0+$0x160]  }
0x9e: {  	v5 =	vld [tilespmem:s0+$0xFFFFFE60];
	v7 =	vmul.f32 $1.131370830e+01, v7;
	[tilespmem:s31+$0x1E0] =	vst v2  }
0x9f: {  	[tilespmem:s31+$0xFFFFFEE0] =	vst v3;
	v1 =	vmul.f32 $1.131370830e+01, v1;
	v3 =	vld [tilespmem:s0+$0x1F0]  }
0xa0: {  	v8 =	vld [tilespmem:s0+$0xFFFFFEF0];
	[tilespmem:s31+$0xFFFFFF60] =	vst v7;
	v2 =	vmul.f32 $1.131370830e+01, v6  }
0xa1: {  	v7 =	vld [tilespmem:s0+$0xFFFFFF70];
	[tilespmem:s31+$0xFFFFFFE0] =	vst v1;
	v1 =	vmul.f32 $1.131370830e+01, v0  }
.Ltmp2:
0xa2: {  	v0 =	vld [tilespmem:s0+$0xFFFFFFF0];
	[tilespmem:s31+$0x60] =	vst v2;
	v4 =	vmul.f32 $1.131370830e+01, v4;
	(pc) =	sbr.rel @p1 .LBB2_3-.Ltmp2, $4  }
0xa3: {  	v5 =	vmul.f32 $1.131370830e+01, v5;
	v2 =	vld [tilespmem:s0+$0x70];
	[tilespmem:s31+$0xE0] =	vst v1  }
0xa4: {  	v1 =	vld [tilespmem:s0+$0xF0];
	[tilespmem:s31+$0x160] =	vst v4;
	v9 =	vmul.f32 $1.131370830e+01, v3  }
0xa5: {  	[tilespmem:s31+$0xFFFFFE60] =	vst v5;
	v6 =	vmul.f32 $1.131370830e+01, v8;
	v3 =	vld [tilespmem:s0+$0x170]  }
0xa6: {  	v4 =	vld [tilespmem:s0+$0xFFFFFE70];
	v5 =	vmul.f32 $1.131370830e+01, v7;
	[tilespmem:s31+$0x1F0] =	vst v9;
	s0 =	sadd.s32 $0x400, s0  }
0xa7: {  	[tilespmem:s31+$0xFFFFFEF0] =	vst v6;
	v0 =	vmul.f32 $1.131370830e+01, v0  }
0xa8: {  	[tilespmem:s31+$0xFFFFFF70] =	vst v5;
	v2 =	vmul.f32 $1.131370830e+01, v2  }
0xa9: {  	p1 =	sne.s32 s29, $0x31;
	[tilespmem:s31+$0xFFFFFFF0] =	vst v0;
	v61 =	vmul.f32 $1.131370830e+01, v1  }
.Ltmp3:
0xaa: {  	s30 =	sshll.u32 s29, $0x10;
	[tilespmem:s31+$0x70] =	vst v2;
	v62 =	vmul.f32 $1.131370830e+01, v3;
	(pc) =	sbr.rel @p1 .LBB2_6-.Ltmp3, $4  }
0xab: {  	s0 =	sadd.s32 s5, s30;
	v63 =	vmul.f32 $1.131370830e+01, v4;
	[tilespmem:s31+$0xF0] =	vst v61  }
0xac: {  	s0 =	sshrl.u32 s0, $0x3;
	[tilespmem:s31+$0x170] =	vst v62  }
0xad: {  	s0 =	sadd.s32 s3, s0;
	[tilespmem:s31+$0xFFFFFE70] =	vst v63  }
0xae: {  	[hbm4b:s0+s4] =	stream.linear.scatter [tilespmem:s20], [sflag:$0x5], $0x4000, $0x38;
	[tilespmem:$0x1E400] =	vst v63  }
.Ltmp4:
0xaf: {  	(pc) =	sbr.rel .LBB2_7-.Ltmp4, $4  }
0xb0: {  	_ = 	snop  }
0xb1: {  	_ =	swait.ge [sflag:s21], $0x4000  }
0xb2: {  	[sflag:s21] =	ssyncset.done $0x0  }
0xb3: {  	[sflag:s21] =	ssyncadd.s32 $0xFFFFC000  }
.LBB2_6:
0xb4: {  	s0 =	sshll.u32 s29, $0x9  }
0xb5: {  	s0 =	sand.u32 $0x3FFFFE00, s0  }
.Ltmp5:
0xb6: {  	s0 =	sadd.s32 $0x200, s0;
	(pc) =	sbr.rel @p0 .LBB2_8-.Ltmp5, $4  }
0xb7: {  	[tilespmem:s13], [sflag:$0x1] =	stream.indirect.gather [hbm4b:s1+s12], $0x80, s0, s12, $0xb8;
	[tilespmem:$0x1E400] =	vst v63  }
0xb8: {  	_ =	swait.ge [sflag:s21], $0x4000  }
0xb9: {  	[sflag:s21] =	ssyncset.done $0x0  }
0xba: {  	[sflag:s21] =	ssyncadd.s32 $0xFFFFC000  }
.LBB2_7:
0xbb: {  	_ =	swait.ge [sflag:s22], $0x4000  }
0xbc: {  	[sflag:s22] =	ssyncset.done $0x0  }
0xbd: {  	[sflag:s22] =	ssyncadd.s32 $0xFFFFC000  }
.LBB2_8:
0xbe: {  	s0 =	simm.s32 $0xA600  }
0xbf: {  	v0 =	vld [tilespmem:s0+$0x180]  }
0xc0: {  	v1 =	vld [tilespmem:s0+$0xFFFFFE80]  }
0xc1: {  	v2 =	vld [tilespmem:s0+$0xFFFFFF00]  }
0xc2: {  	v3 =	vld [tilespmem:s0+$0xFFFFFF80]  }
0xc3: {  	v4 =	vld [tilespmem:s0+$0x0]  }
0xc4: {  	v5 =	vld [tilespmem:s0+$0x80];
	v0 =	vmul.f32 $1.131370830e+01, v0  }
0xc5: {  	s31 =	simm.s32 $0x1A600;
	v6 =	vld [tilespmem:s0+$0x100];
	v1 =	vmul.f32 $1.131370830e+01, v1  }
0xc6: {  	v7 =	vld [tilespmem:s0+$0xFFFFFE00];
	v2 =	vmul.f32 $1.131370830e+01, v2;
	[tilespmem:s31+$0x180] =	vst v0  }
0xc7: {  	[tilespmem:s31+$0xFFFFFE80] =	vst v1;
	v0 =	vmul.f32 $1.131370830e+01, v3;
	v1 =	vld [tilespmem:s0+$0x190]  }
0xc8: {  	[tilespmem:s31+$0xFFFFFF00] =	vst v2;
	v2 =	vmul.f32 $1.131370830e+01, v4;
	v3 =	vld [tilespmem:s0+$0xFFFFFE90]  }
0xc9: {  	v4 =	vld [tilespmem:s0+$0xFFFFFF10];
	[tilespmem:s31+$0xFFFFFF80] =	vst v0;
	v0 =	vmul.f32 $1.131370830e+01, v5  }
0xca: {  	[tilespmem:s31+$0x0] =	vst v2;
	v2 =	vmul.f32 $1.131370830e+01, v6;
	v5 =	vld [tilespmem:s0+$0xFFFFFF90]  }
0xcb: {  	v6 =	vmul.f32 $1.131370830e+01, v7;
	v7 =	vld [tilespmem:s0+$0x10];
	[tilespmem:s31+$0x80] =	vst v0  }
0xcc: {  	[tilespmem:s31+$0x100] =	vst v2;
	v0 =	vld [tilespmem:s0+$0x90];
	v1 =	vmul.f32 $1.131370830e+01, v1  }
0xcd: {  	[tilespmem:s31+$0xFFFFFE00] =	vst v6;
	v2 =	vmul.f32 $1.131370830e+01, v3;
	v3 =	vld [tilespmem:s0+$0x110]  }
0xce: {  	v6 =	vld [tilespmem:s0+$0xFFFFFE10];
	v4 =	vmul.f32 $1.131370830e+01, v4;
	[tilespmem:s31+$0x190] =	vst v1  }
0xcf: {  	[tilespmem:s31+$0xFFFFFE90] =	vst v2;
	v1 =	vmul.f32 $1.131370830e+01, v5;
	v2 =	vld [tilespmem:s0+$0x1A0]  }
0xd0: {  	[tilespmem:s31+$0xFFFFFF10] =	vst v4;
	v4 =	vmul.f32 $1.131370830e+01, v7;
	v5 =	vld [tilespmem:s0+$0xFFFFFEA0]  }
0xd1: {  	v7 =	vld [tilespmem:s0+$0xFFFFFF20];
	[tilespmem:s31+$0xFFFFFF90] =	vst v1;
	v0 =	vmul.f32 $1.131370830e+01, v0  }
0xd2: {  	[tilespmem:s31+$0x10] =	vst v4;
	v1 =	vld [tilespmem:s0+$0xFFFFFFA0];
	v3 =	vmul.f32 $1.131370830e+01, v3  }
0xd3: {  	v4 =	vmul.f32 $1.131370830e+01, v6;
	v6 =	vld [tilespmem:s0+$0x20];
	[tilespmem:s31+$0x90] =	vst v0  }
0xd4: {  	v0 =	vld [tilespmem:s0+$0xA0];
	[tilespmem:s31+$0x110] =	vst v3;
	v2 =	vmul.f32 $1.131370830e+01, v2  }
0xd5: {  	[tilespmem:s31+$0xFFFFFE10] =	vst v4;
	v3 =	vmul.f32 $1.131370830e+01, v5;
	v4 =	vld [tilespmem:s0+$0x120]  }
0xd6: {  	v5 =	vld [tilespmem:s0+$0xFFFFFE20];
	v7 =	vmul.f32 $1.131370830e+01, v7;
	[tilespmem:s31+$0x1A0] =	vst v2  }
0xd7: {  	[tilespmem:s31+$0xFFFFFEA0] =	vst v3;
	v1 =	vmul.f32 $1.131370830e+01, v1;
	v2 =	vld [tilespmem:s0+$0x1B0]  }
0xd8: {  	[tilespmem:s31+$0xFFFFFF20] =	vst v7;
	v6 =	vmul.f32 $1.131370830e+01, v6;
	v3 =	vld [tilespmem:s0+$0xFFFFFEB0]  }
0xd9: {  	v7 =	vld [tilespmem:s0+$0xFFFFFF30];
	[tilespmem:s31+$0xFFFFFFA0] =	vst v1;
	v0 =	vmul.f32 $1.131370830e+01, v0  }
0xda: {  	[tilespmem:s31+$0x20] =	vst v6;
	v1 =	vld [tilespmem:s0+$0xFFFFFFB0];
	v4 =	vmul.f32 $1.131370830e+01, v4  }
0xdb: {  	v5 =	vmul.f32 $1.131370830e+01, v5;
	v6 =	vld [tilespmem:s0+$0x30];
	[tilespmem:s31+$0xA0] =	vst v0  }
0xdc: {  	v0 =	vld [tilespmem:s0+$0xB0];
	[tilespmem:s31+$0x120] =	vst v4;
	v2 =	vmul.f32 $1.131370830e+01, v2  }
0xdd: {  	[tilespmem:s31+$0xFFFFFE20] =	vst v5;
	v3 =	vmul.f32 $1.131370830e+01, v3;
	v4 =	vld [tilespmem:s0+$0x130]  }
0xde: {  	v5 =	vld [tilespmem:s0+$0xFFFFFE30];
	v7 =	vmul.f32 $1.131370830e+01, v7;
	[tilespmem:s31+$0x1B0] =	vst v2  }
0xdf: {  	[tilespmem:s31+$0xFFFFFEB0] =	vst v3;
	v1 =	vmul.f32 $1.131370830e+01, v1;
	v2 =	vld [tilespmem:s0+$0x1C0]  }
0xe0: {  	[tilespmem:s31+$0xFFFFFF30] =	vst v7;
	v6 =	vmul.f32 $1.131370830e+01, v6;
	v3 =	vld [tilespmem:s0+$0xFFFFFEC0]  }
0xe1: {  	v7 =	vld [tilespmem:s0+$0xFFFFFF40];
	[tilespmem:s31+$0xFFFFFFB0] =	vst v1;
	v0 =	vmul.f32 $1.131370830e+01, v0  }
0xe2: {  	[tilespmem:s31+$0x30] =	vst v6;
	v1 =	vld [tilespmem:s0+$0xFFFFFFC0];
	v4 =	vmul.f32 $1.131370830e+01, v4  }
0xe3: {  	v5 =	vmul.f32 $1.131370830e+01, v5;
	v6 =	vld [tilespmem:s0+$0x40];
	[tilespmem:s31+$0xB0] =	vst v0  }
0xe4: {  	v0 =	vld [tilespmem:s0+$0xC0];
	[tilespmem:s31+$0x130] =	vst v4;
	v2 =	vmul.f32 $1.131370830e+01, v2  }
0xe5: {  	[tilespmem:s31+$0xFFFFFE30] =	vst v5;
	v3 =	vmul.f32 $1.131370830e+01, v3;
	v4 =	vld [tilespmem:s0+$0x140]  }
0xe6: {  	v5 =	vld [tilespmem:s0+$0xFFFFFE40];
	v7 =	vmul.f32 $1.131370830e+01, v7;
	[tilespmem:s31+$0x1C0] =	vst v2  }
0xe7: {  	[tilespmem:s31+$0xFFFFFEC0] =	vst v3;
	v1 =	vmul.f32 $1.131370830e+01, v1;
	v2 =	vld [tilespmem:s0+$0x1D0]  }
0xe8: {  	[tilespmem:s31+$0xFFFFFF40] =	vst v7;
	v6 =	vmul.f32 $1.131370830e+01, v6;
	v3 =	vld [tilespmem:s0+$0xFFFFFED0]  }
0xe9: {  	v7 =	vld [tilespmem:s0+$0xFFFFFF50];
	[tilespmem:s31+$0xFFFFFFC0] =	vst v1;
	v0 =	vmul.f32 $1.131370830e+01, v0  }
0xea: {  	[tilespmem:s31+$0x40] =	vst v6;
	v1 =	vld [tilespmem:s0+$0xFFFFFFD0];
	v4 =	vmul.f32 $1.131370830e+01, v4  }
0xeb: {  	v5 =	vmul.f32 $1.131370830e+01, v5;
	v6 =	vld [tilespmem:s0+$0x50];
	[tilespmem:s31+$0xC0] =	vst v0  }
0xec: {  	v0 =	vld [tilespmem:s0+$0xD0];
	[tilespmem:s31+$0x140] =	vst v4;
	v2 =	vmul.f32 $1.131370830e+01, v2  }
0xed: {  	[tilespmem:s31+$0xFFFFFE40] =	vst v5;
	v3 =	vmul.f32 $1.131370830e+01, v3;
	v4 =	vld [tilespmem:s0+$0x150]  }
0xee: {  	v5 =	vld [tilespmem:s0+$0xFFFFFE50];
	v7 =	vmul.f32 $1.131370830e+01, v7;
	[tilespmem:s31+$0x1D0] =	vst v2  }
0xef: {  	[tilespmem:s31+$0xFFFFFED0] =	vst v3;
	v1 =	vmul.f32 $1.131370830e+01, v1;
	v2 =	vld [tilespmem:s0+$0x1E0]  }
0xf0: {  	[tilespmem:s31+$0xFFFFFF50] =	vst v7;
	v6 =	vmul.f32 $1.131370830e+01, v6;
	v3 =	vld [tilespmem:s0+$0xFFFFFEE0]  }
0xf1: {  	v7 =	vld [tilespmem:s0+$0xFFFFFF60];
	[tilespmem:s31+$0xFFFFFFD0] =	vst v1;
	v0 =	vmul.f32 $1.131370830e+01, v0  }
0xf2: {  	[tilespmem:s31+$0x50] =	vst v6;
	v1 =	vld [tilespmem:s0+$0xFFFFFFE0];
	v4 =	vmul.f32 $1.131370830e+01, v4  }
0xf3: {  	v5 =	vmul.f32 $1.131370830e+01, v5;
	v6 =	vld [tilespmem:s0+$0x60];
	[tilespmem:s31+$0xD0] =	vst v0  }
0xf4: {  	v0 =	vld [tilespmem:s0+$0xE0];
	[tilespmem:s31+$0x150] =	vst v4;
	v2 =	vmul.f32 $1.131370830e+01, v2  }
0xf5: {  	[tilespmem:s31+$0xFFFFFE50] =	vst v5;
	v3 =	vmul.f32 $1.131370830e+01, v3;
	v4 =	vld [tilespmem:s0+$0x160]  }
0xf6: {  	v5 =	vld [tilespmem:s0+$0xFFFFFE60];
	v7 =	vmul.f32 $1.131370830e+01, v7;
	[tilespmem:s31+$0x1E0] =	vst v2  }
0xf7: {  	[tilespmem:s31+$0xFFFFFEE0] =	vst v3;
	v1 =	vmul.f32 $1.131370830e+01, v1;
	v3 =	vld [tilespmem:s0+$0x1F0]  }
0xf8: {  	[tilespmem:s31+$0xFFFFFF60] =	vst v7;
	v2 =	vmul.f32 $1.131370830e+01, v6;
	v8 =	vld [tilespmem:s0+$0xFFFFFEF0]  }
0xf9: {  	v7 =	vld [tilespmem:s0+$0xFFFFFF70];
	[tilespmem:s31+$0xFFFFFFE0] =	vst v1;
	v1 =	vmul.f32 $1.131370830e+01, v0  }
0xfa: {  	[tilespmem:s31+$0x60] =	vst v2;
	v0 =	vld [tilespmem:s0+$0xFFFFFFF0];
	v4 =	vmul.f32 $1.131370830e+01, v4  }
0xfb: {  	v5 =	vmul.f32 $1.131370830e+01, v5;
	v2 =	vld [tilespmem:s0+$0x70];
	[tilespmem:s31+$0xE0] =	vst v1  }
0xfc: {  	v1 =	vld [tilespmem:s0+$0xF0];
	[tilespmem:s31+$0x160] =	vst v4;
	v9 =	vmul.f32 $1.131370830e+01, v3  }
0xfd: {  	[tilespmem:s31+$0xFFFFFE60] =	vst v5;
	v3 =	vld [tilespmem:s0+$0x170];
	v6 =	vmul.f32 $1.131370830e+01, v8  }
0xfe: {  	s2 =	simm.s32 $0x0;
	v4 =	vld [tilespmem:s0+$0xFFFFFE70];
	v5 =	vmul.f32 $1.131370830e+01, v7;
	s0 =	simm.s32 $0xAA00;
	[tilespmem:s31+$0x1F0] =	vst v9  }
.LBB2_9:
0xff: {  	v7 =	vld [tilespmem:s0+$0x180];
	s2 =	sadd.s32 $0x8, s2;
	[tilespmem:s31+$0xFFFFFEF0] =	vst v6;
	v0 =	vmul.f32 $1.131370830e+01, v0  }
0x100: {  	v6 =	vld [tilespmem:s0+$0xFFFFFE80];
	p0 =	slt.u32 s2, $0x78;
	[tilespmem:s31+$0xFFFFFF70] =	vst v5;
	v2 =	vmul.f32 $1.131370830e+01, v2  }
0x101: {  	v5 =	vld [tilespmem:s0+$0xFFFFFF00];
	[tilespmem:s31+$0xFFFFFFF0] =	vst v0;
	v0 =	vmul.f32 $1.131370830e+01, v1  }
0x102: {  	v1 =	vld [tilespmem:s0+$0xFFFFFF80];
	[tilespmem:s31+$0x70] =	vst v2;
	v2 =	vmul.f32 $1.131370830e+01, v3  }
0x103: {  	v3 =	vld [tilespmem:s0+$0x0];
	v4 =	vmul.f32 $1.131370830e+01, v4;
	[tilespmem:s31+$0xF0] =	vst v0  }
0x104: {  	v0 =	vld [tilespmem:s0+$0x80];
	v7 =	vmul.f32 $1.131370830e+01, v7;
	[tilespmem:s31+$0x170] =	vst v2  }
0x105: {  	v2 =	vmul.f32 $1.131370830e+01, v6;
	v6 =	vld [tilespmem:s0+$0x100];
	[tilespmem:s31+$0xFFFFFE70] =	vst v4;
	s31 =	sadd.s32 $0x400, s31  }
0x106: {  	v4 =	vld [tilespmem:s0+$0xFFFFFE00];
	v5 =	vmul.f32 $1.131370830e+01, v5;
	[tilespmem:s31+$0x180] =	vst v7  }
0x107: {  	[tilespmem:s31+$0xFFFFFE80] =	vst v2;
	v1 =	vmul.f32 $1.131370830e+01, v1;
	v2 =	vld [tilespmem:s0+$0x190]  }
0x108: {  	v7 =	vld [tilespmem:s0+$0xFFFFFE90];
	[tilespmem:s31+$0xFFFFFF00] =	vst v5;
	v3 =	vmul.f32 $1.131370830e+01, v3  }
0x109: {  	v5 =	vld [tilespmem:s0+$0xFFFFFF10];
	[tilespmem:s31+$0xFFFFFF80] =	vst v1;
	v0 =	vmul.f32 $1.131370830e+01, v0  }
0x10a: {  	v1 =	vld [tilespmem:s0+$0xFFFFFF90];
	[tilespmem:s31+$0x0] =	vst v3;
	v3 =	vmul.f32 $1.131370830e+01, v6  }
0x10b: {  	v4 =	vmul.f32 $1.131370830e+01, v4;
	v6 =	vld [tilespmem:s0+$0x10];
	[tilespmem:s31+$0x80] =	vst v0  }
0x10c: {  	v0 =	vld [tilespmem:s0+$0x90];
	[tilespmem:s31+$0x100] =	vst v3;
	v2 =	vmul.f32 $1.131370830e+01, v2  }
0x10d: {  	[tilespmem:s31+$0xFFFFFE00] =	vst v4;
	v3 =	vmul.f32 $1.131370830e+01, v7;
	v4 =	vld [tilespmem:s0+$0x110]  }
0x10e: {  	v7 =	vld [tilespmem:s0+$0xFFFFFE10];
	v5 =	vmul.f32 $1.131370830e+01, v5;
	[tilespmem:s31+$0x190] =	vst v2  }
0x10f: {  	[tilespmem:s31+$0xFFFFFE90] =	vst v3;
	v1 =	vmul.f32 $1.131370830e+01, v1;
	v2 =	vld [tilespmem:s0+$0x1A0]  }
0x110: {  	v3 =	vld [tilespmem:s0+$0xFFFFFEA0];
	[tilespmem:s31+$0xFFFFFF10] =	vst v5;
	v5 =	vmul.f32 $1.131370830e+01, v6  }
0x111: {  	v6 =	vld [tilespmem:s0+$0xFFFFFF20];
	[tilespmem:s31+$0xFFFFFF90] =	vst v1;
	v0 =	vmul.f32 $1.131370830e+01, v0  }
0x112: {  	v1 =	vld [tilespmem:s0+$0xFFFFFFA0];
	[tilespmem:s31+$0x10] =	vst v5;
	v4 =	vmul.f32 $1.131370830e+01, v4  }
0x113: {  	v5 =	vmul.f32 $1.131370830e+01, v7;
	v7 =	vld [tilespmem:s0+$0x20];
	[tilespmem:s31+$0x90] =	vst v0  }
0x114: {  	v0 =	vld [tilespmem:s0+$0xA0];
	[tilespmem:s31+$0x110] =	vst v4;
	v2 =	vmul.f32 $1.131370830e+01, v2  }
0x115: {  	[tilespmem:s31+$0xFFFFFE10] =	vst v5;
	v3 =	vmul.f32 $1.131370830e+01, v3;
	v4 =	vld [tilespmem:s0+$0x120]  }
0x116: {  	v5 =	vld [tilespmem:s0+$0xFFFFFE20];
	v6 =	vmul.f32 $1.131370830e+01, v6;
	[tilespmem:s31+$0x1A0] =	vst v2  }
0x117: {  	[tilespmem:s31+$0xFFFFFEA0] =	vst v3;
	v1 =	vmul.f32 $1.131370830e+01, v1;
	v2 =	vld [tilespmem:s0+$0x1B0]  }
0x118: {  	v3 =	vld [tilespmem:s0+$0xFFFFFEB0];
	[tilespmem:s31+$0xFFFFFF20] =	vst v6;
	v6 =	vmul.f32 $1.131370830e+01, v7  }
0x119: {  	v7 =	vld [tilespmem:s0+$0xFFFFFF30];
	[tilespmem:s31+$0xFFFFFFA0] =	vst v1;
	v0 =	vmul.f32 $1.131370830e+01, v0  }
0x11a: {  	v1 =	vld [tilespmem:s0+$0xFFFFFFB0];
	[tilespmem:s31+$0x20] =	vst v6;
	v4 =	vmul.f32 $1.131370830e+01, v4  }
0x11b: {  	v5 =	vmul.f32 $1.131370830e+01, v5;
	v6 =	vld [tilespmem:s0+$0x30];
	[tilespmem:s31+$0xA0] =	vst v0  }
0x11c: {  	v0 =	vld [tilespmem:s0+$0xB0];
	[tilespmem:s31+$0x120] =	vst v4;
	v2 =	vmul.f32 $1.131370830e+01, v2  }
0x11d: {  	[tilespmem:s31+$0xFFFFFE20] =	vst v5;
	v3 =	vmul.f32 $1.131370830e+01, v3;
	v4 =	vld [tilespmem:s0+$0x130]  }
0x11e: {  	v5 =	vld [tilespmem:s0+$0xFFFFFE30];
	v7 =	vmul.f32 $1.131370830e+01, v7;
	[tilespmem:s31+$0x1B0] =	vst v2  }
0x11f: {  	[tilespmem:s31+$0xFFFFFEB0] =	vst v3;
	v1 =	vmul.f32 $1.131370830e+01, v1;
	v2 =	vld [tilespmem:s0+$0x1C0]  }
0x120: {  	v3 =	vld [tilespmem:s0+$0xFFFFFEC0];
	[tilespmem:s31+$0xFFFFFF30] =	vst v7;
	v6 =	vmul.f32 $1.131370830e+01, v6  }
0x121: {  	v7 =	vld [tilespmem:s0+$0xFFFFFF40];
	[tilespmem:s31+$0xFFFFFFB0] =	vst v1;
	v0 =	vmul.f32 $1.131370830e+01, v0  }
0x122: {  	v1 =	vld [tilespmem:s0+$0xFFFFFFC0];
	[tilespmem:s31+$0x30] =	vst v6;
	v4 =	vmul.f32 $1.131370830e+01, v4  }
0x123: {  	v5 =	vmul.f32 $1.131370830e+01, v5;
	v6 =	vld [tilespmem:s0+$0x40];
	[tilespmem:s31+$0xB0] =	vst v0  }
0x124: {  	v0 =	vld [tilespmem:s0+$0xC0];
	[tilespmem:s31+$0x130] =	vst v4;
	v2 =	vmul.f32 $1.131370830e+01, v2  }
0x125: {  	[tilespmem:s31+$0xFFFFFE30] =	vst v5;
	v3 =	vmul.f32 $1.131370830e+01, v3;
	v4 =	vld [tilespmem:s0+$0x140]  }
0x126: {  	v5 =	vld [tilespmem:s0+$0xFFFFFE40];
	v7 =	vmul.f32 $1.131370830e+01, v7;
	[tilespmem:s31+$0x1C0] =	vst v2  }
0x127: {  	[tilespmem:s31+$0xFFFFFEC0] =	vst v3;
	v1 =	vmul.f32 $1.131370830e+01, v1;
	v2 =	vld [tilespmem:s0+$0x1D0]  }
0x128: {  	v3 =	vld [tilespmem:s0+$0xFFFFFED0];
	[tilespmem:s31+$0xFFFFFF40] =	vst v7;
	v6 =	vmul.f32 $1.131370830e+01, v6  }
0x129: {  	v7 =	vld [tilespmem:s0+$0xFFFFFF50];
	[tilespmem:s31+$0xFFFFFFC0] =	vst v1;
	v0 =	vmul.f32 $1.131370830e+01, v0  }
0x12a: {  	v1 =	vld [tilespmem:s0+$0xFFFFFFD0];
	[tilespmem:s31+$0x40] =	vst v6;
	v4 =	vmul.f32 $1.131370830e+01, v4  }
0x12b: {  	v5 =	vmul.f32 $1.131370830e+01, v5;
	v6 =	vld [tilespmem:s0+$0x50];
	[tilespmem:s31+$0xC0] =	vst v0  }
0x12c: {  	v0 =	vld [tilespmem:s0+$0xD0];
	[tilespmem:s31+$0x140] =	vst v4;
	v2 =	vmul.f32 $1.131370830e+01, v2  }
0x12d: {  	[tilespmem:s31+$0xFFFFFE40] =	vst v5;
	v3 =	vmul.f32 $1.131370830e+01, v3;
	v4 =	vld [tilespmem:s0+$0x150]  }
0x12e: {  	v5 =	vld [tilespmem:s0+$0xFFFFFE50];
	v7 =	vmul.f32 $1.131370830e+01, v7;
	[tilespmem:s31+$0x1D0] =	vst v2  }
0x12f: {  	[tilespmem:s31+$0xFFFFFED0] =	vst v3;
	v1 =	vmul.f32 $1.131370830e+01, v1;
	v2 =	vld [tilespmem:s0+$0x1E0]  }
0x130: {  	v3 =	vld [tilespmem:s0+$0xFFFFFEE0];
	[tilespmem:s31+$0xFFFFFF50] =	vst v7;
	v6 =	vmul.f32 $1.131370830e+01, v6  }
0x131: {  	v7 =	vld [tilespmem:s0+$0xFFFFFF60];
	[tilespmem:s31+$0xFFFFFFD0] =	vst v1;
	v0 =	vmul.f32 $1.131370830e+01, v0  }
0x132: {  	v1 =	vld [tilespmem:s0+$0xFFFFFFE0];
	[tilespmem:s31+$0x50] =	vst v6;
	v4 =	vmul.f32 $1.131370830e+01, v4  }
0x133: {  	v5 =	vmul.f32 $1.131370830e+01, v5;
	v6 =	vld [tilespmem:s0+$0x60];
	[tilespmem:s31+$0xD0] =	vst v0  }
0x134: {  	v0 =	vld [tilespmem:s0+$0xE0];
	[tilespmem:s31+$0x150] =	vst v4;
	v2 =	vmul.f32 $1.131370830e+01, v2  }
0x135: {  	[tilespmem:s31+$0xFFFFFE50] =	vst v5;
	v3 =	vmul.f32 $1.131370830e+01, v3;
	v4 =	vld [tilespmem:s0+$0x160]  }
0x136: {  	v5 =	vld [tilespmem:s0+$0xFFFFFE60];
	v7 =	vmul.f32 $1.131370830e+01, v7;
	[tilespmem:s31+$0x1E0] =	vst v2  }
0x137: {  	[tilespmem:s31+$0xFFFFFEE0] =	vst v3;
	v1 =	vmul.f32 $1.131370830e+01, v1;
	v3 =	vld [tilespmem:s0+$0x1F0]  }
0x138: {  	v8 =	vld [tilespmem:s0+$0xFFFFFEF0];
	[tilespmem:s31+$0xFFFFFF60] =	vst v7;
	v2 =	vmul.f32 $1.131370830e+01, v6  }
0x139: {  	v7 =	vld [tilespmem:s0+$0xFFFFFF70];
	[tilespmem:s31+$0xFFFFFFE0] =	vst v1;
	v1 =	vmul.f32 $1.131370830e+01, v0  }
.Ltmp6:
0x13a: {  	v0 =	vld [tilespmem:s0+$0xFFFFFFF0];
	[tilespmem:s31+$0x60] =	vst v2;
	v4 =	vmul.f32 $1.131370830e+01, v4;
	(pc) =	sbr.rel @p0 .LBB2_9-.Ltmp6, $4  }
0x13b: {  	v5 =	vmul.f32 $1.131370830e+01, v5;
	v2 =	vld [tilespmem:s0+$0x70];
	[tilespmem:s31+$0xE0] =	vst v1  }
0x13c: {  	v1 =	vld [tilespmem:s0+$0xF0];
	[tilespmem:s31+$0x160] =	vst v4;
	v9 =	vmul.f32 $1.131370830e+01, v3  }
0x13d: {  	[tilespmem:s31+$0xFFFFFE60] =	vst v5;
	v6 =	vmul.f32 $1.131370830e+01, v8;
	v3 =	vld [tilespmem:s0+$0x170]  }
0x13e: {  	v4 =	vld [tilespmem:s0+$0xFFFFFE70];
	v5 =	vmul.f32 $1.131370830e+01, v7;
	[tilespmem:s31+$0x1F0] =	vst v9;
	s0 =	sadd.s32 $0x400, s0  }
0x13f: {  	[tilespmem:s31+$0xFFFFFEF0] =	vst v6;
	v0 =	vmul.f32 $1.131370830e+01, v0  }
0x140: {  	[tilespmem:s31+$0xFFFFFF70] =	vst v5;
	v2 =	vmul.f32 $1.131370830e+01, v2  }
0x141: {  	[tilespmem:s31+$0xFFFFFFF0] =	vst v0;
	v0 =	vmul.f32 $1.131370830e+01, v1  }
0x142: {  	[tilespmem:s31+$0x70] =	vst v2;
	v1 =	vmul.f32 $1.131370830e+01, v3  }
0x143: {  	s0 =	sadd.s32 s30, s7;
	v2 =	vmul.f32 $1.131370830e+01, v4;
	[tilespmem:s31+$0xF0] =	vst v0  }
0x144: {  	s0 =	sshrl.u32 s0, $0x3;
	[tilespmem:s31+$0x170] =	vst v1  }
0x145: {  	p0 =	seq.s32 s29, $0x31;
	s0 =	sadd.s32 s3, s0;
	[tilespmem:s31+$0xFFFFFE70] =	vst v2  }
0x146: {  	[hbm4b:s0+s4] =	stream.linear.scatter [tilespmem:s23], [sflag:$0x6], $0x4000, $0x38;
	[tilespmem:$0x1E400] =	vst v63  }
0x147: {  	s0 =	sshll.u32 @!p0 s29, $0x9  }
0x148: {  	s31 =	sand.u32 @!p0 $0x3FFFFE00, s0  }
0x149: {  	s2 =	simm.s32 @!p0 $0x80;
	s14 =	simm.s32 @!p0 $0xA400;
	s0 =	sadd.s32 @!p0 $0x280, s31  }
0x14a: {  	[tilespmem:s14], [sflag:$0x2] =	stream.indirect.gather @!p0 [hbm4b:s1+s2], $0x80, s0, s2, $0xb8;
	[tilespmem:$0x1E400] =	vst v63  }
0x14b: {  	_ =	swait.ge [sflag:s24], $0x4000  }
0x14c: {  	[sflag:s24] =	ssyncset.done $0x0  }
0x14d: {  	[sflag:s24] =	ssyncadd.s32 $0xFFFFC000  }
0x14e: {  	_ =	swait.ge [sflag:s25], $0x4000  }
0x14f: {  	[sflag:s25] =	ssyncset.done $0x0  }
0x150: {  	s14 =	simm.s32 $0xE600;
	[sflag:s25] =	ssyncadd.s32 $0xFFFFC000  }
0x151: {  	v0 =	vld [tilespmem:s14+$0x180]  }
0x152: {  	v1 =	vld [tilespmem:s14+$0xFFFFFE80]  }
0x153: {  	v2 =	vld [tilespmem:s14+$0xFFFFFF00]  }
0x154: {  	v3 =	vld [tilespmem:s14+$0xFFFFFF80]  }
0x155: {  	v4 =	vld [tilespmem:s14+$0x0]  }
0x156: {  	v5 =	vld [tilespmem:s14+$0x80];
	v0 =	vmul.f32 $1.131370830e+01, v0  }
0x157: {  	s2 =	simm.s32 $0x16600;
	v6 =	vld [tilespmem:s14+$0x100];
	v1 =	vmul.f32 $1.131370830e+01, v1  }
0x158: {  	v7 =	vld [tilespmem:s14+$0xFFFFFE00];
	v2 =	vmul.f32 $1.131370830e+01, v2;
	[tilespmem:s2+$0x180] =	vst v0  }
0x159: {  	[tilespmem:s2+$0xFFFFFE80] =	vst v1;
	v0 =	vmul.f32 $1.131370830e+01, v3;
	v1 =	vld [tilespmem:s14+$0x190]  }
0x15a: {  	[tilespmem:s2+$0xFFFFFF00] =	vst v2;
	v2 =	vmul.f32 $1.131370830e+01, v4;
	v3 =	vld [tilespmem:s14+$0xFFFFFE90]  }
0x15b: {  	v4 =	vld [tilespmem:s14+$0xFFFFFF10];
	[tilespmem:s2+$0xFFFFFF80] =	vst v0;
	v0 =	vmul.f32 $1.131370830e+01, v5  }
0x15c: {  	[tilespmem:s2+$0x0] =	vst v2;
	v2 =	vmul.f32 $1.131370830e+01, v6;
	v5 =	vld [tilespmem:s14+$0xFFFFFF90]  }
0x15d: {  	v6 =	vmul.f32 $1.131370830e+01, v7;
	v7 =	vld [tilespmem:s14+$0x10];
	[tilespmem:s2+$0x80] =	vst v0  }
0x15e: {  	[tilespmem:s2+$0x100] =	vst v2;
	v0 =	vld [tilespmem:s14+$0x90];
	v1 =	vmul.f32 $1.131370830e+01, v1  }
0x15f: {  	[tilespmem:s2+$0xFFFFFE00] =	vst v6;
	v2 =	vmul.f32 $1.131370830e+01, v3;
	v3 =	vld [tilespmem:s14+$0x110]  }
0x160: {  	v6 =	vld [tilespmem:s14+$0xFFFFFE10];
	v4 =	vmul.f32 $1.131370830e+01, v4;
	[tilespmem:s2+$0x190] =	vst v1  }
0x161: {  	[tilespmem:s2+$0xFFFFFE90] =	vst v2;
	v1 =	vmul.f32 $1.131370830e+01, v5;
	v2 =	vld [tilespmem:s14+$0x1A0]  }
0x162: {  	[tilespmem:s2+$0xFFFFFF10] =	vst v4;
	v4 =	vmul.f32 $1.131370830e+01, v7;
	v5 =	vld [tilespmem:s14+$0xFFFFFEA0]  }
0x163: {  	v7 =	vld [tilespmem:s14+$0xFFFFFF20];
	[tilespmem:s2+$0xFFFFFF90] =	vst v1;
	v0 =	vmul.f32 $1.131370830e+01, v0  }
0x164: {  	[tilespmem:s2+$0x10] =	vst v4;
	v1 =	vld [tilespmem:s14+$0xFFFFFFA0];
	v3 =	vmul.f32 $1.131370830e+01, v3  }
0x165: {  	v4 =	vmul.f32 $1.131370830e+01, v6;
	v6 =	vld [tilespmem:s14+$0x20];
	[tilespmem:s2+$0x90] =	vst v0  }
0x166: {  	v0 =	vld [tilespmem:s14+$0xA0];
	[tilespmem:s2+$0x110] =	vst v3;
	v2 =	vmul.f32 $1.131370830e+01, v2  }
0x167: {  	[tilespmem:s2+$0xFFFFFE10] =	vst v4;
	v3 =	vmul.f32 $1.131370830e+01, v5;
	v4 =	vld [tilespmem:s14+$0x120]  }
0x168: {  	v5 =	vld [tilespmem:s14+$0xFFFFFE20];
	v7 =	vmul.f32 $1.131370830e+01, v7;
	[tilespmem:s2+$0x1A0] =	vst v2  }
0x169: {  	[tilespmem:s2+$0xFFFFFEA0] =	vst v3;
	v1 =	vmul.f32 $1.131370830e+01, v1;
	v2 =	vld [tilespmem:s14+$0x1B0]  }
0x16a: {  	[tilespmem:s2+$0xFFFFFF20] =	vst v7;
	v6 =	vmul.f32 $1.131370830e+01, v6;
	v3 =	vld [tilespmem:s14+$0xFFFFFEB0]  }
0x16b: {  	v7 =	vld [tilespmem:s14+$0xFFFFFF30];
	[tilespmem:s2+$0xFFFFFFA0] =	vst v1;
	v0 =	vmul.f32 $1.131370830e+01, v0  }
0x16c: {  	[tilespmem:s2+$0x20] =	vst v6;
	v1 =	vld [tilespmem:s14+$0xFFFFFFB0];
	v4 =	vmul.f32 $1.131370830e+01, v4  }
0x16d: {  	v5 =	vmul.f32 $1.131370830e+01, v5;
	v6 =	vld [tilespmem:s14+$0x30];
	[tilespmem:s2+$0xA0] =	vst v0  }
0x16e: {  	v0 =	vld [tilespmem:s14+$0xB0];
	[tilespmem:s2+$0x120] =	vst v4;
	v2 =	vmul.f32 $1.131370830e+01, v2  }
0x16f: {  	[tilespmem:s2+$0xFFFFFE20] =	vst v5;
	v3 =	vmul.f32 $1.131370830e+01, v3;
	v4 =	vld [tilespmem:s14+$0x130]  }
0x170: {  	v5 =	vld [tilespmem:s14+$0xFFFFFE30];
	v7 =	vmul.f32 $1.131370830e+01, v7;
	[tilespmem:s2+$0x1B0] =	vst v2  }
0x171: {  	[tilespmem:s2+$0xFFFFFEB0] =	vst v3;
	v1 =	vmul.f32 $1.131370830e+01, v1;
	v2 =	vld [tilespmem:s14+$0x1C0]  }
0x172: {  	[tilespmem:s2+$0xFFFFFF30] =	vst v7;
	v6 =	vmul.f32 $1.131370830e+01, v6;
	v3 =	vld [tilespmem:s14+$0xFFFFFEC0]  }
0x173: {  	v7 =	vld [tilespmem:s14+$0xFFFFFF40];
	[tilespmem:s2+$0xFFFFFFB0] =	vst v1;
	v0 =	vmul.f32 $1.131370830e+01, v0  }
0x174: {  	[tilespmem:s2+$0x30] =	vst v6;
	v1 =	vld [tilespmem:s14+$0xFFFFFFC0];
	v4 =	vmul.f32 $1.131370830e+01, v4  }
0x175: {  	v5 =	vmul.f32 $1.131370830e+01, v5;
	v6 =	vld [tilespmem:s14+$0x40];
	[tilespmem:s2+$0xB0] =	vst v0  }
0x176: {  	v0 =	vld [tilespmem:s14+$0xC0];
	[tilespmem:s2+$0x130] =	vst v4;
	v2 =	vmul.f32 $1.131370830e+01, v2  }
0x177: {  	[tilespmem:s2+$0xFFFFFE30] =	vst v5;
	v3 =	vmul.f32 $1.131370830e+01, v3;
	v4 =	vld [tilespmem:s14+$0x140]  }
0x178: {  	v5 =	vld [tilespmem:s14+$0xFFFFFE40];
	v7 =	vmul.f32 $1.131370830e+01, v7;
	[tilespmem:s2+$0x1C0] =	vst v2  }
0x179: {  	[tilespmem:s2+$0xFFFFFEC0] =	vst v3;
	v1 =	vmul.f32 $1.131370830e+01, v1;
	v2 =	vld [tilespmem:s14+$0x1D0]  }
0x17a: {  	[tilespmem:s2+$0xFFFFFF40] =	vst v7;
	v6 =	vmul.f32 $1.131370830e+01, v6;
	v3 =	vld [tilespmem:s14+$0xFFFFFED0]  }
0x17b: {  	v7 =	vld [tilespmem:s14+$0xFFFFFF50];
	[tilespmem:s2+$0xFFFFFFC0] =	vst v1;
	v0 =	vmul.f32 $1.131370830e+01, v0  }
0x17c: {  	[tilespmem:s2+$0x40] =	vst v6;
	v1 =	vld [tilespmem:s14+$0xFFFFFFD0];
	v4 =	vmul.f32 $1.131370830e+01, v4  }
0x17d: {  	v5 =	vmul.f32 $1.131370830e+01, v5;
	v6 =	vld [tilespmem:s14+$0x50];
	[tilespmem:s2+$0xC0] =	vst v0  }
0x17e: {  	v0 =	vld [tilespmem:s14+$0xD0];
	[tilespmem:s2+$0x140] =	vst v4;
	v2 =	vmul.f32 $1.131370830e+01, v2  }
0x17f: {  	[tilespmem:s2+$0xFFFFFE40] =	vst v5;
	v3 =	vmul.f32 $1.131370830e+01, v3;
	v4 =	vld [tilespmem:s14+$0x150]  }
0x180: {  	v5 =	vld [tilespmem:s14+$0xFFFFFE50];
	v7 =	vmul.f32 $1.131370830e+01, v7;
	[tilespmem:s2+$0x1D0] =	vst v2  }
0x181: {  	[tilespmem:s2+$0xFFFFFED0] =	vst v3;
	v1 =	vmul.f32 $1.131370830e+01, v1;
	v2 =	vld [tilespmem:s14+$0x1E0]  }
0x182: {  	[tilespmem:s2+$0xFFFFFF50] =	vst v7;
	v6 =	vmul.f32 $1.131370830e+01, v6;
	v3 =	vld [tilespmem:s14+$0xFFFFFEE0]  }
0x183: {  	v7 =	vld [tilespmem:s14+$0xFFFFFF60];
	[tilespmem:s2+$0xFFFFFFD0] =	vst v1;
	v0 =	vmul.f32 $1.131370830e+01, v0  }
0x184: {  	[tilespmem:s2+$0x50] =	vst v6;
	v1 =	vld [tilespmem:s14+$0xFFFFFFE0];
	v4 =	vmul.f32 $1.131370830e+01, v4  }
0x185: {  	v5 =	vmul.f32 $1.131370830e+01, v5;
	v6 =	vld [tilespmem:s14+$0x60];
	[tilespmem:s2+$0xD0] =	vst v0  }
0x186: {  	v0 =	vld [tilespmem:s14+$0xE0];
	[tilespmem:s2+$0x150] =	vst v4;
	v2 =	vmul.f32 $1.131370830e+01, v2  }
0x187: {  	[tilespmem:s2+$0xFFFFFE50] =	vst v5;
	v3 =	vmul.f32 $1.131370830e+01, v3;
	v4 =	vld [tilespmem:s14+$0x160]  }
0x188: {  	v5 =	vld [tilespmem:s14+$0xFFFFFE60];
	v7 =	vmul.f32 $1.131370830e+01, v7;
	[tilespmem:s2+$0x1E0] =	vst v2  }
0x189: {  	[tilespmem:s2+$0xFFFFFEE0] =	vst v3;
	v1 =	vmul.f32 $1.131370830e+01, v1;
	v3 =	vld [tilespmem:s14+$0x1F0]  }
0x18a: {  	[tilespmem:s2+$0xFFFFFF60] =	vst v7;
	v2 =	vmul.f32 $1.131370830e+01, v6;
	v8 =	vld [tilespmem:s14+$0xFFFFFEF0]  }
0x18b: {  	v7 =	vld [tilespmem:s14+$0xFFFFFF70];
	[tilespmem:s2+$0xFFFFFFE0] =	vst v1;
	v1 =	vmul.f32 $1.131370830e+01, v0  }
0x18c: {  	[tilespmem:s2+$0x60] =	vst v2;
	v0 =	vld [tilespmem:s14+$0xFFFFFFF0];
	v4 =	vmul.f32 $1.131370830e+01, v4  }
0x18d: {  	v5 =	vmul.f32 $1.131370830e+01, v5;
	v2 =	vld [tilespmem:s14+$0x70];
	[tilespmem:s2+$0xE0] =	vst v1  }
0x18e: {  	v1 =	vld [tilespmem:s14+$0xF0];
	[tilespmem:s2+$0x160] =	vst v4;
	v9 =	vmul.f32 $1.131370830e+01, v3  }
0x18f: {  	[tilespmem:s2+$0xFFFFFE60] =	vst v5;
	v3 =	vld [tilespmem:s14+$0x170];
	v6 =	vmul.f32 $1.131370830e+01, v8  }
0x190: {  	s0 =	simm.s32 $0x0;
	v4 =	vld [tilespmem:s14+$0xFFFFFE70];
	v5 =	vmul.f32 $1.131370830e+01, v7;
	s14 =	simm.s32 $0xEA00;
	[tilespmem:s2+$0x1F0] =	vst v9  }
.LBB2_11:
0x191: {  	v7 =	vld [tilespmem:s14+$0x180];
	s0 =	sadd.s32 $0x8, s0;
	[tilespmem:s2+$0xFFFFFEF0] =	vst v6;
	v0 =	vmul.f32 $1.131370830e+01, v0  }
0x192: {  	v6 =	vld [tilespmem:s14+$0xFFFFFE80];
	p1 =	slt.u32 s0, $0x78;
	[tilespmem:s2+$0xFFFFFF70] =	vst v5;
	v2 =	vmul.f32 $1.131370830e+01, v2  }
0x193: {  	v5 =	vld [tilespmem:s14+$0xFFFFFF00];
	[tilespmem:s2+$0xFFFFFFF0] =	vst v0;
	v0 =	vmul.f32 $1.131370830e+01, v1  }
0x194: {  	v1 =	vld [tilespmem:s14+$0xFFFFFF80];
	[tilespmem:s2+$0x70] =	vst v2;
	v2 =	vmul.f32 $1.131370830e+01, v3  }
0x195: {  	v3 =	vld [tilespmem:s14+$0x0];
	v4 =	vmul.f32 $1.131370830e+01, v4;
	[tilespmem:s2+$0xF0] =	vst v0  }
0x196: {  	v0 =	vld [tilespmem:s14+$0x80];
	v7 =	vmul.f32 $1.131370830e+01, v7;
	[tilespmem:s2+$0x170] =	vst v2  }
0x197: {  	v2 =	vmul.f32 $1.131370830e+01, v6;
	v6 =	vld [tilespmem:s14+$0x100];
	[tilespmem:s2+$0xFFFFFE70] =	vst v4;
	s2 =	sadd.s32 $0x400, s2  }
0x198: {  	v4 =	vld [tilespmem:s14+$0xFFFFFE00];
	v5 =	vmul.f32 $1.131370830e+01, v5;
	[tilespmem:s2+$0x180] =	vst v7  }
0x199: {  	[tilespmem:s2+$0xFFFFFE80] =	vst v2;
	v1 =	vmul.f32 $1.131370830e+01, v1;
	v2 =	vld [tilespmem:s14+$0x190]  }
0x19a: {  	v7 =	vld [tilespmem:s14+$0xFFFFFE90];
	[tilespmem:s2+$0xFFFFFF00] =	vst v5;
	v3 =	vmul.f32 $1.131370830e+01, v3  }
0x19b: {  	v5 =	vld [tilespmem:s14+$0xFFFFFF10];
	[tilespmem:s2+$0xFFFFFF80] =	vst v1;
	v0 =	vmul.f32 $1.131370830e+01, v0  }
0x19c: {  	v1 =	vld [tilespmem:s14+$0xFFFFFF90];
	[tilespmem:s2+$0x0] =	vst v3;
	v3 =	vmul.f32 $1.131370830e+01, v6  }
0x19d: {  	v4 =	vmul.f32 $1.131370830e+01, v4;
	v6 =	vld [tilespmem:s14+$0x10];
	[tilespmem:s2+$0x80] =	vst v0  }
0x19e: {  	v0 =	vld [tilespmem:s14+$0x90];
	[tilespmem:s2+$0x100] =	vst v3;
	v2 =	vmul.f32 $1.131370830e+01, v2  }
0x19f: {  	[tilespmem:s2+$0xFFFFFE00] =	vst v4;
	v3 =	vmul.f32 $1.131370830e+01, v7;
	v4 =	vld [tilespmem:s14+$0x110]  }
0x1a0: {  	v7 =	vld [tilespmem:s14+$0xFFFFFE10];
	v5 =	vmul.f32 $1.131370830e+01, v5;
	[tilespmem:s2+$0x190] =	vst v2  }
0x1a1: {  	[tilespmem:s2+$0xFFFFFE90] =	vst v3;
	v1 =	vmul.f32 $1.131370830e+01, v1;
	v2 =	vld [tilespmem:s14+$0x1A0]  }
0x1a2: {  	v3 =	vld [tilespmem:s14+$0xFFFFFEA0];
	[tilespmem:s2+$0xFFFFFF10] =	vst v5;
	v5 =	vmul.f32 $1.131370830e+01, v6  }
0x1a3: {  	v6 =	vld [tilespmem:s14+$0xFFFFFF20];
	[tilespmem:s2+$0xFFFFFF90] =	vst v1;
	v0 =	vmul.f32 $1.131370830e+01, v0  }
0x1a4: {  	v1 =	vld [tilespmem:s14+$0xFFFFFFA0];
	[tilespmem:s2+$0x10] =	vst v5;
	v4 =	vmul.f32 $1.131370830e+01, v4  }
0x1a5: {  	v5 =	vmul.f32 $1.131370830e+01, v7;
	v7 =	vld [tilespmem:s14+$0x20];
	[tilespmem:s2+$0x90] =	vst v0  }
0x1a6: {  	v0 =	vld [tilespmem:s14+$0xA0];
	[tilespmem:s2+$0x110] =	vst v4;
	v2 =	vmul.f32 $1.131370830e+01, v2  }
0x1a7: {  	[tilespmem:s2+$0xFFFFFE10] =	vst v5;
	v3 =	vmul.f32 $1.131370830e+01, v3;
	v4 =	vld [tilespmem:s14+$0x120]  }
0x1a8: {  	v5 =	vld [tilespmem:s14+$0xFFFFFE20];
	v6 =	vmul.f32 $1.131370830e+01, v6;
	[tilespmem:s2+$0x1A0] =	vst v2  }
0x1a9: {  	[tilespmem:s2+$0xFFFFFEA0] =	vst v3;
	v1 =	vmul.f32 $1.131370830e+01, v1;
	v2 =	vld [tilespmem:s14+$0x1B0]  }
0x1aa: {  	v3 =	vld [tilespmem:s14+$0xFFFFFEB0];
	[tilespmem:s2+$0xFFFFFF20] =	vst v6;
	v6 =	vmul.f32 $1.131370830e+01, v7  }
0x1ab: {  	v7 =	vld [tilespmem:s14+$0xFFFFFF30];
	[tilespmem:s2+$0xFFFFFFA0] =	vst v1;
	v0 =	vmul.f32 $1.131370830e+01, v0  }
0x1ac: {  	v1 =	vld [tilespmem:s14+$0xFFFFFFB0];
	[tilespmem:s2+$0x20] =	vst v6;
	v4 =	vmul.f32 $1.131370830e+01, v4  }
0x1ad: {  	v5 =	vmul.f32 $1.131370830e+01, v5;
	v6 =	vld [tilespmem:s14+$0x30];
	[tilespmem:s2+$0xA0] =	vst v0  }
0x1ae: {  	v0 =	vld [tilespmem:s14+$0xB0];
	[tilespmem:s2+$0x120] =	vst v4;
	v2 =	vmul.f32 $1.131370830e+01, v2  }
0x1af: {  	[tilespmem:s2+$0xFFFFFE20] =	vst v5;
	v3 =	vmul.f32 $1.131370830e+01, v3;
	v4 =	vld [tilespmem:s14+$0x130]  }
0x1b0: {  	v5 =	vld [tilespmem:s14+$0xFFFFFE30];
	v7 =	vmul.f32 $1.131370830e+01, v7;
	[tilespmem:s2+$0x1B0] =	vst v2  }
0x1b1: {  	[tilespmem:s2+$0xFFFFFEB0] =	vst v3;
	v1 =	vmul.f32 $1.131370830e+01, v1;
	v2 =	vld [tilespmem:s14+$0x1C0]  }
0x1b2: {  	v3 =	vld [tilespmem:s14+$0xFFFFFEC0];
	[tilespmem:s2+$0xFFFFFF30] =	vst v7;
	v6 =	vmul.f32 $1.131370830e+01, v6  }
0x1b3: {  	v7 =	vld [tilespmem:s14+$0xFFFFFF40];
	[tilespmem:s2+$0xFFFFFFB0] =	vst v1;
	v0 =	vmul.f32 $1.131370830e+01, v0  }
0x1b4: {  	v1 =	vld [tilespmem:s14+$0xFFFFFFC0];
	[tilespmem:s2+$0x30] =	vst v6;
	v4 =	vmul.f32 $1.131370830e+01, v4  }
0x1b5: {  	v5 =	vmul.f32 $1.131370830e+01, v5;
	v6 =	vld [tilespmem:s14+$0x40];
	[tilespmem:s2+$0xB0] =	vst v0  }
0x1b6: {  	v0 =	vld [tilespmem:s14+$0xC0];
	[tilespmem:s2+$0x130] =	vst v4;
	v2 =	vmul.f32 $1.131370830e+01, v2  }
0x1b7: {  	[tilespmem:s2+$0xFFFFFE30] =	vst v5;
	v3 =	vmul.f32 $1.131370830e+01, v3;
	v4 =	vld [tilespmem:s14+$0x140]  }
0x1b8: {  	v5 =	vld [tilespmem:s14+$0xFFFFFE40];
	v7 =	vmul.f32 $1.131370830e+01, v7;
	[tilespmem:s2+$0x1C0] =	vst v2  }
0x1b9: {  	[tilespmem:s2+$0xFFFFFEC0] =	vst v3;
	v1 =	vmul.f32 $1.131370830e+01, v1;
	v2 =	vld [tilespmem:s14+$0x1D0]  }
0x1ba: {  	v3 =	vld [tilespmem:s14+$0xFFFFFED0];
	[tilespmem:s2+$0xFFFFFF40] =	vst v7;
	v6 =	vmul.f32 $1.131370830e+01, v6  }
0x1bb: {  	v7 =	vld [tilespmem:s14+$0xFFFFFF50];
	[tilespmem:s2+$0xFFFFFFC0] =	vst v1;
	v0 =	vmul.f32 $1.131370830e+01, v0  }
0x1bc: {  	v1 =	vld [tilespmem:s14+$0xFFFFFFD0];
	[tilespmem:s2+$0x40] =	vst v6;
	v4 =	vmul.f32 $1.131370830e+01, v4  }
0x1bd: {  	v5 =	vmul.f32 $1.131370830e+01, v5;
	v6 =	vld [tilespmem:s14+$0x50];
	[tilespmem:s2+$0xC0] =	vst v0  }
0x1be: {  	v0 =	vld [tilespmem:s14+$0xD0];
	[tilespmem:s2+$0x140] =	vst v4;
	v2 =	vmul.f32 $1.131370830e+01, v2  }
0x1bf: {  	[tilespmem:s2+$0xFFFFFE40] =	vst v5;
	v3 =	vmul.f32 $1.131370830e+01, v3;
	v4 =	vld [tilespmem:s14+$0x150]  }
0x1c0: {  	v5 =	vld [tilespmem:s14+$0xFFFFFE50];
	v7 =	vmul.f32 $1.131370830e+01, v7;
	[tilespmem:s2+$0x1D0] =	vst v2  }
0x1c1: {  	[tilespmem:s2+$0xFFFFFED0] =	vst v3;
	v1 =	vmul.f32 $1.131370830e+01, v1;
	v2 =	vld [tilespmem:s14+$0x1E0]  }
0x1c2: {  	v3 =	vld [tilespmem:s14+$0xFFFFFEE0];
	[tilespmem:s2+$0xFFFFFF50] =	vst v7;
	v6 =	vmul.f32 $1.131370830e+01, v6  }
0x1c3: {  	v7 =	vld [tilespmem:s14+$0xFFFFFF60];
	[tilespmem:s2+$0xFFFFFFD0] =	vst v1;
	v0 =	vmul.f32 $1.131370830e+01, v0  }
0x1c4: {  	v1 =	vld [tilespmem:s14+$0xFFFFFFE0];
	[tilespmem:s2+$0x50] =	vst v6;
	v4 =	vmul.f32 $1.131370830e+01, v4  }
0x1c5: {  	v5 =	vmul.f32 $1.131370830e+01, v5;
	v6 =	vld [tilespmem:s14+$0x60];
	[tilespmem:s2+$0xD0] =	vst v0  }
0x1c6: {  	v0 =	vld [tilespmem:s14+$0xE0];
	[tilespmem:s2+$0x150] =	vst v4;
	v2 =	vmul.f32 $1.131370830e+01, v2  }
0x1c7: {  	[tilespmem:s2+$0xFFFFFE50] =	vst v5;
	v3 =	vmul.f32 $1.131370830e+01, v3;
	v4 =	vld [tilespmem:s14+$0x160]  }
0x1c8: {  	v5 =	vld [tilespmem:s14+$0xFFFFFE60];
	v7 =	vmul.f32 $1.131370830e+01, v7;
	[tilespmem:s2+$0x1E0] =	vst v2  }
0x1c9: {  	[tilespmem:s2+$0xFFFFFEE0] =	vst v3;
	v1 =	vmul.f32 $1.131370830e+01, v1;
	v3 =	vld [tilespmem:s14+$0x1F0]  }
0x1ca: {  	v8 =	vld [tilespmem:s14+$0xFFFFFEF0];
	[tilespmem:s2+$0xFFFFFF60] =	vst v7;
	v2 =	vmul.f32 $1.131370830e+01, v6  }
0x1cb: {  	v7 =	vld [tilespmem:s14+$0xFFFFFF70];
	[tilespmem:s2+$0xFFFFFFE0] =	vst v1;
	v1 =	vmul.f32 $1.131370830e+01, v0  }
.Ltmp7:
0x1cc: {  	v0 =	vld [tilespmem:s14+$0xFFFFFFF0];
	[tilespmem:s2+$0x60] =	vst v2;
	v4 =	vmul.f32 $1.131370830e+01, v4;
	(pc) =	sbr.rel @p1 .LBB2_11-.Ltmp7, $4  }
0x1cd: {  	v5 =	vmul.f32 $1.131370830e+01, v5;
	v2 =	vld [tilespmem:s14+$0x70];
	[tilespmem:s2+$0xE0] =	vst v1  }
0x1ce: {  	v1 =	vld [tilespmem:s14+$0xF0];
	[tilespmem:s2+$0x160] =	vst v4;
	v9 =	vmul.f32 $1.131370830e+01, v3  }
0x1cf: {  	[tilespmem:s2+$0xFFFFFE60] =	vst v5;
	v6 =	vmul.f32 $1.131370830e+01, v8;
	v3 =	vld [tilespmem:s14+$0x170]  }
0x1d0: {  	v4 =	vld [tilespmem:s14+$0xFFFFFE70];
	v5 =	vmul.f32 $1.131370830e+01, v7;
	[tilespmem:s2+$0x1F0] =	vst v9;
	s14 =	sadd.s32 $0x400, s14  }
0x1d1: {  	[tilespmem:s2+$0xFFFFFEF0] =	vst v6;
	v0 =	vmul.f32 $1.131370830e+01, v0  }
0x1d2: {  	[tilespmem:s2+$0xFFFFFF70] =	vst v5;
	v2 =	vmul.f32 $1.131370830e+01, v2  }
0x1d3: {  	[tilespmem:s2+$0xFFFFFFF0] =	vst v0;
	v0 =	vmul.f32 $1.131370830e+01, v1  }
0x1d4: {  	[tilespmem:s2+$0x70] =	vst v2;
	v1 =	vmul.f32 $1.131370830e+01, v3  }
0x1d5: {  	s0 =	sadd.s32 s30, s8;
	v2 =	vmul.f32 $1.131370830e+01, v4;
	[tilespmem:s2+$0xF0] =	vst v0  }
0x1d6: {  	s0 =	sshrl.u32 s0, $0x3;
	[tilespmem:s2+$0x170] =	vst v1  }
0x1d7: {  	s0 =	sadd.s32 s3, s0;
	[tilespmem:s2+$0xFFFFFE70] =	vst v2  }
0x1d8: {  	[hbm4b:s0+s4] =	stream.linear.scatter [tilespmem:s20], [sflag:$0x5], $0x4000, $0x38;
	[tilespmem:$0x1E400] =	vst v63  }
0x1d9: {  	s14 =	simm.s32 @!p0 $0xE400;
	s2 =	simm.s32 @!p0 $0x80;
	s0 =	sadd.s32 @!p0 $0x300, s31  }
0x1da: {  	[tilespmem:s14], [sflag:$0x3] =	stream.indirect.gather @!p0 [hbm4b:s1+s2], $0x80, s0, s2, $0xb8;
	[tilespmem:$0x1E400] =	vst v63  }
0x1db: {  	_ =	swait.ge [sflag:s26], $0x4000  }
0x1dc: {  	[sflag:s26] =	ssyncset.done $0x0  }
0x1dd: {  	[sflag:s26] =	ssyncadd.s32 $0xFFFFC000  }
0x1de: {  	_ =	swait.ge [sflag:s22], $0x4000  }
0x1df: {  	[sflag:s22] =	ssyncset.done $0x0  }
0x1e0: {  	s31 =	simm.s32 $0x12600;
	[sflag:s22] =	ssyncadd.s32 $0xFFFFC000  }
0x1e1: {  	v0 =	vld [tilespmem:s31+$0x180]  }
0x1e2: {  	v1 =	vld [tilespmem:s31+$0xFFFFFE80]  }
0x1e3: {  	v2 =	vld [tilespmem:s31+$0xFFFFFF00]  }
0x1e4: {  	v3 =	vld [tilespmem:s31+$0xFFFFFF80]  }
0x1e5: {  	v4 =	vld [tilespmem:s31+$0x0]  }
0x1e6: {  	v5 =	vld [tilespmem:s31+$0x80];
	v0 =	vmul.f32 $1.131370830e+01, v0  }
0x1e7: {  	s2 =	simm.s32 $0x1A600;
	v6 =	vld [tilespmem:s31+$0x100];
	v1 =	vmul.f32 $1.131370830e+01, v1  }
0x1e8: {  	v7 =	vld [tilespmem:s31+$0xFFFFFE00];
	v2 =	vmul.f32 $1.131370830e+01, v2;
	[tilespmem:s2+$0x180] =	vst v0  }
0x1e9: {  	[tilespmem:s2+$0xFFFFFE80] =	vst v1;
	v0 =	vmul.f32 $1.131370830e+01, v3;
	v1 =	vld [tilespmem:s31+$0x190]  }
0x1ea: {  	[tilespmem:s2+$0xFFFFFF00] =	vst v2;
	v2 =	vmul.f32 $1.131370830e+01, v4;
	v3 =	vld [tilespmem:s31+$0xFFFFFE90]  }
0x1eb: {  	v4 =	vld [tilespmem:s31+$0xFFFFFF10];
	[tilespmem:s2+$0xFFFFFF80] =	vst v0;
	v0 =	vmul.f32 $1.131370830e+01, v5  }
0x1ec: {  	[tilespmem:s2+$0x0] =	vst v2;
	v2 =	vmul.f32 $1.131370830e+01, v6;
	v5 =	vld [tilespmem:s31+$0xFFFFFF90]  }
0x1ed: {  	v6 =	vmul.f32 $1.131370830e+01, v7;
	v7 =	vld [tilespmem:s31+$0x10];
	[tilespmem:s2+$0x80] =	vst v0  }
0x1ee: {  	[tilespmem:s2+$0x100] =	vst v2;
	v0 =	vld [tilespmem:s31+$0x90];
	v1 =	vmul.f32 $1.131370830e+01, v1  }
0x1ef: {  	[tilespmem:s2+$0xFFFFFE00] =	vst v6;
	v2 =	vmul.f32 $1.131370830e+01, v3;
	v3 =	vld [tilespmem:s31+$0x110]  }
0x1f0: {  	v6 =	vld [tilespmem:s31+$0xFFFFFE10];
	v4 =	vmul.f32 $1.131370830e+01, v4;
	[tilespmem:s2+$0x190] =	vst v1  }
0x1f1: {  	[tilespmem:s2+$0xFFFFFE90] =	vst v2;
	v1 =	vmul.f32 $1.131370830e+01, v5;
	v2 =	vld [tilespmem:s31+$0x1A0]  }
0x1f2: {  	[tilespmem:s2+$0xFFFFFF10] =	vst v4;
	v4 =	vmul.f32 $1.131370830e+01, v7;
	v5 =	vld [tilespmem:s31+$0xFFFFFEA0]  }
0x1f3: {  	v7 =	vld [tilespmem:s31+$0xFFFFFF20];
	[tilespmem:s2+$0xFFFFFF90] =	vst v1;
	v0 =	vmul.f32 $1.131370830e+01, v0  }
0x1f4: {  	[tilespmem:s2+$0x10] =	vst v4;
	v1 =	vld [tilespmem:s31+$0xFFFFFFA0];
	v3 =	vmul.f32 $1.131370830e+01, v3  }
0x1f5: {  	v4 =	vmul.f32 $1.131370830e+01, v6;
	v6 =	vld [tilespmem:s31+$0x20];
	[tilespmem:s2+$0x90] =	vst v0  }
0x1f6: {  	v0 =	vld [tilespmem:s31+$0xA0];
	[tilespmem:s2+$0x110] =	vst v3;
	v2 =	vmul.f32 $1.131370830e+01, v2  }
0x1f7: {  	[tilespmem:s2+$0xFFFFFE10] =	vst v4;
	v3 =	vmul.f32 $1.131370830e+01, v5;
	v4 =	vld [tilespmem:s31+$0x120]  }
0x1f8: {  	v5 =	vld [tilespmem:s31+$0xFFFFFE20];
	v7 =	vmul.f32 $1.131370830e+01, v7;
	[tilespmem:s2+$0x1A0] =	vst v2  }
0x1f9: {  	[tilespmem:s2+$0xFFFFFEA0] =	vst v3;
	v1 =	vmul.f32 $1.131370830e+01, v1;
	v2 =	vld [tilespmem:s31+$0x1B0]  }
0x1fa: {  	[tilespmem:s2+$0xFFFFFF20] =	vst v7;
	v6 =	vmul.f32 $1.131370830e+01, v6;
	v3 =	vld [tilespmem:s31+$0xFFFFFEB0]  }
0x1fb: {  	v7 =	vld [tilespmem:s31+$0xFFFFFF30];
	[tilespmem:s2+$0xFFFFFFA0] =	vst v1;
	v0 =	vmul.f32 $1.131370830e+01, v0  }
0x1fc: {  	[tilespmem:s2+$0x20] =	vst v6;
	v1 =	vld [tilespmem:s31+$0xFFFFFFB0];
	v4 =	vmul.f32 $1.131370830e+01, v4  }
0x1fd: {  	v5 =	vmul.f32 $1.131370830e+01, v5;
	v6 =	vld [tilespmem:s31+$0x30];
	[tilespmem:s2+$0xA0] =	vst v0  }
0x1fe: {  	v0 =	vld [tilespmem:s31+$0xB0];
	[tilespmem:s2+$0x120] =	vst v4;
	v2 =	vmul.f32 $1.131370830e+01, v2  }
0x1ff: {  	[tilespmem:s2+$0xFFFFFE20] =	vst v5;
	v3 =	vmul.f32 $1.131370830e+01, v3;
	v4 =	vld [tilespmem:s31+$0x130]  }
0x200: {  	v5 =	vld [tilespmem:s31+$0xFFFFFE30];
	v7 =	vmul.f32 $1.131370830e+01, v7;
	[tilespmem:s2+$0x1B0] =	vst v2  }
0x201: {  	[tilespmem:s2+$0xFFFFFEB0] =	vst v3;
	v1 =	vmul.f32 $1.131370830e+01, v1;
	v2 =	vld [tilespmem:s31+$0x1C0]  }
0x202: {  	[tilespmem:s2+$0xFFFFFF30] =	vst v7;
	v6 =	vmul.f32 $1.131370830e+01, v6;
	v3 =	vld [tilespmem:s31+$0xFFFFFEC0]  }
0x203: {  	v7 =	vld [tilespmem:s31+$0xFFFFFF40];
	[tilespmem:s2+$0xFFFFFFB0] =	vst v1;
	v0 =	vmul.f32 $1.131370830e+01, v0  }
0x204: {  	[tilespmem:s2+$0x30] =	vst v6;
	v1 =	vld [tilespmem:s31+$0xFFFFFFC0];
	v4 =	vmul.f32 $1.131370830e+01, v4  }
0x205: {  	v5 =	vmul.f32 $1.131370830e+01, v5;
	v6 =	vld [tilespmem:s31+$0x40];
	[tilespmem:s2+$0xB0] =	vst v0  }
0x206: {  	v0 =	vld [tilespmem:s31+$0xC0];
	[tilespmem:s2+$0x130] =	vst v4;
	v2 =	vmul.f32 $1.131370830e+01, v2  }
0x207: {  	[tilespmem:s2+$0xFFFFFE30] =	vst v5;
	v3 =	vmul.f32 $1.131370830e+01, v3;
	v4 =	vld [tilespmem:s31+$0x140]  }
0x208: {  	v5 =	vld [tilespmem:s31+$0xFFFFFE40];
	v7 =	vmul.f32 $1.131370830e+01, v7;
	[tilespmem:s2+$0x1C0] =	vst v2  }
0x209: {  	[tilespmem:s2+$0xFFFFFEC0] =	vst v3;
	v1 =	vmul.f32 $1.131370830e+01, v1;
	v2 =	vld [tilespmem:s31+$0x1D0]  }
0x20a: {  	[tilespmem:s2+$0xFFFFFF40] =	vst v7;
	v6 =	vmul.f32 $1.131370830e+01, v6;
	v3 =	vld [tilespmem:s31+$0xFFFFFED0]  }
0x20b: {  	v7 =	vld [tilespmem:s31+$0xFFFFFF50];
	[tilespmem:s2+$0xFFFFFFC0] =	vst v1;
	v0 =	vmul.f32 $1.131370830e+01, v0  }
0x20c: {  	[tilespmem:s2+$0x40] =	vst v6;
	v1 =	vld [tilespmem:s31+$0xFFFFFFD0];
	v4 =	vmul.f32 $1.131370830e+01, v4  }
0x20d: {  	v5 =	vmul.f32 $1.131370830e+01, v5;
	v6 =	vld [tilespmem:s31+$0x50];
	[tilespmem:s2+$0xC0] =	vst v0  }
0x20e: {  	v0 =	vld [tilespmem:s31+$0xD0];
	[tilespmem:s2+$0x140] =	vst v4;
	v2 =	vmul.f32 $1.131370830e+01, v2  }
0x20f: {  	[tilespmem:s2+$0xFFFFFE40] =	vst v5;
	v3 =	vmul.f32 $1.131370830e+01, v3;
	v4 =	vld [tilespmem:s31+$0x150]  }
0x210: {  	v5 =	vld [tilespmem:s31+$0xFFFFFE50];
	v7 =	vmul.f32 $1.131370830e+01, v7;
	[tilespmem:s2+$0x1D0] =	vst v2  }
0x211: {  	[tilespmem:s2+$0xFFFFFED0] =	vst v3;
	v1 =	vmul.f32 $1.131370830e+01, v1;
	v2 =	vld [tilespmem:s31+$0x1E0]  }
0x212: {  	[tilespmem:s2+$0xFFFFFF50] =	vst v7;
	v6 =	vmul.f32 $1.131370830e+01, v6;
	v3 =	vld [tilespmem:s31+$0xFFFFFEE0]  }
0x213: {  	v7 =	vld [tilespmem:s31+$0xFFFFFF60];
	[tilespmem:s2+$0xFFFFFFD0] =	vst v1;
	v0 =	vmul.f32 $1.131370830e+01, v0  }
0x214: {  	[tilespmem:s2+$0x50] =	vst v6;
	v1 =	vld [tilespmem:s31+$0xFFFFFFE0];
	v4 =	vmul.f32 $1.131370830e+01, v4  }
0x215: {  	v5 =	vmul.f32 $1.131370830e+01, v5;
	v6 =	vld [tilespmem:s31+$0x60];
	[tilespmem:s2+$0xD0] =	vst v0  }
0x216: {  	v0 =	vld [tilespmem:s31+$0xE0];
	[tilespmem:s2+$0x150] =	vst v4;
	v2 =	vmul.f32 $1.131370830e+01, v2  }
0x217: {  	[tilespmem:s2+$0xFFFFFE50] =	vst v5;
	v3 =	vmul.f32 $1.131370830e+01, v3;
	v4 =	vld [tilespmem:s31+$0x160]  }
0x218: {  	v5 =	vld [tilespmem:s31+$0xFFFFFE60];
	v7 =	vmul.f32 $1.131370830e+01, v7;
	[tilespmem:s2+$0x1E0] =	vst v2  }
0x219: {  	[tilespmem:s2+$0xFFFFFEE0] =	vst v3;
	v1 =	vmul.f32 $1.131370830e+01, v1;
	v3 =	vld [tilespmem:s31+$0x1F0]  }
0x21a: {  	[tilespmem:s2+$0xFFFFFF60] =	vst v7;
	v2 =	vmul.f32 $1.131370830e+01, v6;
	v8 =	vld [tilespmem:s31+$0xFFFFFEF0]  }
0x21b: {  	v7 =	vld [tilespmem:s31+$0xFFFFFF70];
	[tilespmem:s2+$0xFFFFFFE0] =	vst v1;
	v1 =	vmul.f32 $1.131370830e+01, v0  }
0x21c: {  	[tilespmem:s2+$0x60] =	vst v2;
	v0 =	vld [tilespmem:s31+$0xFFFFFFF0];
	v4 =	vmul.f32 $1.131370830e+01, v4  }
0x21d: {  	v5 =	vmul.f32 $1.131370830e+01, v5;
	v2 =	vld [tilespmem:s31+$0x70];
	[tilespmem:s2+$0xE0] =	vst v1  }
0x21e: {  	v1 =	vld [tilespmem:s31+$0xF0];
	[tilespmem:s2+$0x160] =	vst v4;
	v9 =	vmul.f32 $1.131370830e+01, v3  }
0x21f: {  	[tilespmem:s2+$0xFFFFFE60] =	vst v5;
	v3 =	vld [tilespmem:s31+$0x170];
	v6 =	vmul.f32 $1.131370830e+01, v8  }
0x220: {  	s0 =	simm.s32 $0x0;
	s14 =	simm.s32 $0x12A00;
	v4 =	vld [tilespmem:s31+$0xFFFFFE70];
	v5 =	vmul.f32 $1.131370830e+01, v7;
	[tilespmem:s2+$0x1F0] =	vst v9  }
.LBB2_13:
0x221: {  	v7 =	vld [tilespmem:s14+$0x180];
	s0 =	sadd.s32 $0x8, s0;
	[tilespmem:s2+$0xFFFFFEF0] =	vst v6;
	v0 =	vmul.f32 $1.131370830e+01, v0  }
0x222: {  	v6 =	vld [tilespmem:s14+$0xFFFFFE80];
	p1 =	slt.u32 s0, $0x78;
	[tilespmem:s2+$0xFFFFFF70] =	vst v5;
	v2 =	vmul.f32 $1.131370830e+01, v2  }
0x223: {  	v5 =	vld [tilespmem:s14+$0xFFFFFF00];
	[tilespmem:s2+$0xFFFFFFF0] =	vst v0;
	v0 =	vmul.f32 $1.131370830e+01, v1  }
0x224: {  	v1 =	vld [tilespmem:s14+$0xFFFFFF80];
	[tilespmem:s2+$0x70] =	vst v2;
	v2 =	vmul.f32 $1.131370830e+01, v3  }
0x225: {  	v3 =	vld [tilespmem:s14+$0x0];
	v4 =	vmul.f32 $1.131370830e+01, v4;
	[tilespmem:s2+$0xF0] =	vst v0  }
0x226: {  	v0 =	vld [tilespmem:s14+$0x80];
	v7 =	vmul.f32 $1.131370830e+01, v7;
	[tilespmem:s2+$0x170] =	vst v2  }
0x227: {  	v2 =	vmul.f32 $1.131370830e+01, v6;
	v6 =	vld [tilespmem:s14+$0x100];
	[tilespmem:s2+$0xFFFFFE70] =	vst v4;
	s2 =	sadd.s32 $0x400, s2  }
0x228: {  	v4 =	vld [tilespmem:s14+$0xFFFFFE00];
	v5 =	vmul.f32 $1.131370830e+01, v5;
	[tilespmem:s2+$0x180] =	vst v7  }
0x229: {  	[tilespmem:s2+$0xFFFFFE80] =	vst v2;
	v1 =	vmul.f32 $1.131370830e+01, v1;
	v2 =	vld [tilespmem:s14+$0x190]  }
0x22a: {  	v7 =	vld [tilespmem:s14+$0xFFFFFE90];
	[tilespmem:s2+$0xFFFFFF00] =	vst v5;
	v3 =	vmul.f32 $1.131370830e+01, v3  }
0x22b: {  	v5 =	vld [tilespmem:s14+$0xFFFFFF10];
	[tilespmem:s2+$0xFFFFFF80] =	vst v1;
	v0 =	vmul.f32 $1.131370830e+01, v0  }
0x22c: {  	v1 =	vld [tilespmem:s14+$0xFFFFFF90];
	[tilespmem:s2+$0x0] =	vst v3;
	v3 =	vmul.f32 $1.131370830e+01, v6  }
0x22d: {  	v4 =	vmul.f32 $1.131370830e+01, v4;
	v6 =	vld [tilespmem:s14+$0x10];
	[tilespmem:s2+$0x80] =	vst v0  }
0x22e: {  	v0 =	vld [tilespmem:s14+$0x90];
	[tilespmem:s2+$0x100] =	vst v3;
	v2 =	vmul.f32 $1.131370830e+01, v2  }
0x22f: {  	[tilespmem:s2+$0xFFFFFE00] =	vst v4;
	v3 =	vmul.f32 $1.131370830e+01, v7;
	v4 =	vld [tilespmem:s14+$0x110]  }
0x230: {  	v7 =	vld [tilespmem:s14+$0xFFFFFE10];
	v5 =	vmul.f32 $1.131370830e+01, v5;
	[tilespmem:s2+$0x190] =	vst v2  }
0x231: {  	[tilespmem:s2+$0xFFFFFE90] =	vst v3;
	v1 =	vmul.f32 $1.131370830e+01, v1;
	v2 =	vld [tilespmem:s14+$0x1A0]  }
0x232: {  	v3 =	vld [tilespmem:s14+$0xFFFFFEA0];
	[tilespmem:s2+$0xFFFFFF10] =	vst v5;
	v5 =	vmul.f32 $1.131370830e+01, v6  }
0x233: {  	v6 =	vld [tilespmem:s14+$0xFFFFFF20];
	[tilespmem:s2+$0xFFFFFF90] =	vst v1;
	v0 =	vmul.f32 $1.131370830e+01, v0  }
0x234: {  	v1 =	vld [tilespmem:s14+$0xFFFFFFA0];
	[tilespmem:s2+$0x10] =	vst v5;
	v4 =	vmul.f32 $1.131370830e+01, v4  }
0x235: {  	v5 =	vmul.f32 $1.131370830e+01, v7;
	v7 =	vld [tilespmem:s14+$0x20];
	[tilespmem:s2+$0x90] =	vst v0  }
0x236: {  	v0 =	vld [tilespmem:s14+$0xA0];
	[tilespmem:s2+$0x110] =	vst v4;
	v2 =	vmul.f32 $1.131370830e+01, v2  }
0x237: {  	[tilespmem:s2+$0xFFFFFE10] =	vst v5;
	v3 =	vmul.f32 $1.131370830e+01, v3;
	v4 =	vld [tilespmem:s14+$0x120]  }
0x238: {  	v5 =	vld [tilespmem:s14+$0xFFFFFE20];
	v6 =	vmul.f32 $1.131370830e+01, v6;
	[tilespmem:s2+$0x1A0] =	vst v2  }
0x239: {  	[tilespmem:s2+$0xFFFFFEA0] =	vst v3;
	v1 =	vmul.f32 $1.131370830e+01, v1;
	v2 =	vld [tilespmem:s14+$0x1B0]  }
0x23a: {  	v3 =	vld [tilespmem:s14+$0xFFFFFEB0];
	[tilespmem:s2+$0xFFFFFF20] =	vst v6;
	v6 =	vmul.f32 $1.131370830e+01, v7  }
0x23b: {  	v7 =	vld [tilespmem:s14+$0xFFFFFF30];
	[tilespmem:s2+$0xFFFFFFA0] =	vst v1;
	v0 =	vmul.f32 $1.131370830e+01, v0  }
0x23c: {  	v1 =	vld [tilespmem:s14+$0xFFFFFFB0];
	[tilespmem:s2+$0x20] =	vst v6;
	v4 =	vmul.f32 $1.131370830e+01, v4  }
0x23d: {  	v5 =	vmul.f32 $1.131370830e+01, v5;
	v6 =	vld [tilespmem:s14+$0x30];
	[tilespmem:s2+$0xA0] =	vst v0  }
0x23e: {  	v0 =	vld [tilespmem:s14+$0xB0];
	[tilespmem:s2+$0x120] =	vst v4;
	v2 =	vmul.f32 $1.131370830e+01, v2  }
0x23f: {  	[tilespmem:s2+$0xFFFFFE20] =	vst v5;
	v3 =	vmul.f32 $1.131370830e+01, v3;
	v4 =	vld [tilespmem:s14+$0x130]  }
0x240: {  	v5 =	vld [tilespmem:s14+$0xFFFFFE30];
	v7 =	vmul.f32 $1.131370830e+01, v7;
	[tilespmem:s2+$0x1B0] =	vst v2  }
0x241: {  	[tilespmem:s2+$0xFFFFFEB0] =	vst v3;
	v1 =	vmul.f32 $1.131370830e+01, v1;
	v2 =	vld [tilespmem:s14+$0x1C0]  }
0x242: {  	v3 =	vld [tilespmem:s14+$0xFFFFFEC0];
	[tilespmem:s2+$0xFFFFFF30] =	vst v7;
	v6 =	vmul.f32 $1.131370830e+01, v6  }
0x243: {  	v7 =	vld [tilespmem:s14+$0xFFFFFF40];
	[tilespmem:s2+$0xFFFFFFB0] =	vst v1;
	v0 =	vmul.f32 $1.131370830e+01, v0  }
0x244: {  	v1 =	vld [tilespmem:s14+$0xFFFFFFC0];
	[tilespmem:s2+$0x30] =	vst v6;
	v4 =	vmul.f32 $1.131370830e+01, v4  }
0x245: {  	v5 =	vmul.f32 $1.131370830e+01, v5;
	v6 =	vld [tilespmem:s14+$0x40];
	[tilespmem:s2+$0xB0] =	vst v0  }
0x246: {  	v0 =	vld [tilespmem:s14+$0xC0];
	[tilespmem:s2+$0x130] =	vst v4;
	v2 =	vmul.f32 $1.131370830e+01, v2  }
0x247: {  	[tilespmem:s2+$0xFFFFFE30] =	vst v5;
	v3 =	vmul.f32 $1.131370830e+01, v3;
	v4 =	vld [tilespmem:s14+$0x140]  }
0x248: {  	v5 =	vld [tilespmem:s14+$0xFFFFFE40];
	v7 =	vmul.f32 $1.131370830e+01, v7;
	[tilespmem:s2+$0x1C0] =	vst v2  }
0x249: {  	[tilespmem:s2+$0xFFFFFEC0] =	vst v3;
	v1 =	vmul.f32 $1.131370830e+01, v1;
	v2 =	vld [tilespmem:s14+$0x1D0]  }
0x24a: {  	v3 =	vld [tilespmem:s14+$0xFFFFFED0];
	[tilespmem:s2+$0xFFFFFF40] =	vst v7;
	v6 =	vmul.f32 $1.131370830e+01, v6  }
0x24b: {  	v7 =	vld [tilespmem:s14+$0xFFFFFF50];
	[tilespmem:s2+$0xFFFFFFC0] =	vst v1;
	v0 =	vmul.f32 $1.131370830e+01, v0  }
0x24c: {  	v1 =	vld [tilespmem:s14+$0xFFFFFFD0];
	[tilespmem:s2+$0x40] =	vst v6;
	v4 =	vmul.f32 $1.131370830e+01, v4  }
0x24d: {  	v5 =	vmul.f32 $1.131370830e+01, v5;
	v6 =	vld [tilespmem:s14+$0x50];
	[tilespmem:s2+$0xC0] =	vst v0  }
0x24e: {  	v0 =	vld [tilespmem:s14+$0xD0];
	[tilespmem:s2+$0x140] =	vst v4;
	v2 =	vmul.f32 $1.131370830e+01, v2  }
0x24f: {  	[tilespmem:s2+$0xFFFFFE40] =	vst v5;
	v3 =	vmul.f32 $1.131370830e+01, v3;
	v4 =	vld [tilespmem:s14+$0x150]  }
0x250: {  	v5 =	vld [tilespmem:s14+$0xFFFFFE50];
	v7 =	vmul.f32 $1.131370830e+01, v7;
	[tilespmem:s2+$0x1D0] =	vst v2  }
0x251: {  	[tilespmem:s2+$0xFFFFFED0] =	vst v3;
	v1 =	vmul.f32 $1.131370830e+01, v1;
	v2 =	vld [tilespmem:s14+$0x1E0]  }
0x252: {  	v3 =	vld [tilespmem:s14+$0xFFFFFEE0];
	[tilespmem:s2+$0xFFFFFF50] =	vst v7;
	v6 =	vmul.f32 $1.131370830e+01, v6  }
0x253: {  	v7 =	vld [tilespmem:s14+$0xFFFFFF60];
	[tilespmem:s2+$0xFFFFFFD0] =	vst v1;
	v0 =	vmul.f32 $1.131370830e+01, v0  }
0x254: {  	v1 =	vld [tilespmem:s14+$0xFFFFFFE0];
	[tilespmem:s2+$0x50] =	vst v6;
	v4 =	vmul.f32 $1.131370830e+01, v4  }
0x255: {  	v5 =	vmul.f32 $1.131370830e+01, v5;
	v6 =	vld [tilespmem:s14+$0x60];
	[tilespmem:s2+$0xD0] =	vst v0  }
0x256: {  	v0 =	vld [tilespmem:s14+$0xE0];
	[tilespmem:s2+$0x150] =	vst v4;
	v2 =	vmul.f32 $1.131370830e+01, v2  }
0x257: {  	[tilespmem:s2+$0xFFFFFE50] =	vst v5;
	v3 =	vmul.f32 $1.131370830e+01, v3;
	v4 =	vld [tilespmem:s14+$0x160]  }
0x258: {  	v5 =	vld [tilespmem:s14+$0xFFFFFE60];
	v7 =	vmul.f32 $1.131370830e+01, v7;
	[tilespmem:s2+$0x1E0] =	vst v2  }
0x259: {  	[tilespmem:s2+$0xFFFFFEE0] =	vst v3;
	v1 =	vmul.f32 $1.131370830e+01, v1;
	v3 =	vld [tilespmem:s14+$0x1F0]  }
0x25a: {  	v8 =	vld [tilespmem:s14+$0xFFFFFEF0];
	[tilespmem:s2+$0xFFFFFF60] =	vst v7;
	v2 =	vmul.f32 $1.131370830e+01, v6  }
0x25b: {  	v7 =	vld [tilespmem:s14+$0xFFFFFF70];
	[tilespmem:s2+$0xFFFFFFE0] =	vst v1;
	v1 =	vmul.f32 $1.131370830e+01, v0  }
.Ltmp8:
0x25c: {  	v0 =	vld [tilespmem:s14+$0xFFFFFFF0];
	[tilespmem:s2+$0x60] =	vst v2;
	v4 =	vmul.f32 $1.131370830e+01, v4;
	(pc) =	sbr.rel @p1 .LBB2_13-.Ltmp8, $4  }
0x25d: {  	v5 =	vmul.f32 $1.131370830e+01, v5;
	v2 =	vld [tilespmem:s14+$0x70];
	[tilespmem:s2+$0xE0] =	vst v1  }
0x25e: {  	v1 =	vld [tilespmem:s14+$0xF0];
	[tilespmem:s2+$0x160] =	vst v4;
	v9 =	vmul.f32 $1.131370830e+01, v3  }
0x25f: {  	[tilespmem:s2+$0xFFFFFE60] =	vst v5;
	v6 =	vmul.f32 $1.131370830e+01, v8;
	v3 =	vld [tilespmem:s14+$0x170]  }
0x260: {  	v4 =	vld [tilespmem:s14+$0xFFFFFE70];
	v5 =	vmul.f32 $1.131370830e+01, v7;
	[tilespmem:s2+$0x1F0] =	vst v9;
	s14 =	sadd.s32 $0x400, s14  }
0x261: {  	[tilespmem:s2+$0xFFFFFEF0] =	vst v6;
	v0 =	vmul.f32 $1.131370830e+01, v0  }
0x262: {  	[tilespmem:s2+$0xFFFFFF70] =	vst v5;
	v2 =	vmul.f32 $1.131370830e+01, v2  }
0x263: {  	[tilespmem:s2+$0xFFFFFFF0] =	vst v0;
	v61 =	vmul.f32 $1.131370830e+01, v1  }
.Ltmp9:
0x264: {  	[tilespmem:s2+$0x70] =	vst v2;
	v62 =	vmul.f32 $1.131370830e+01, v3;
	(pc) =	sbr.rel @p0 .LBB2_16-.Ltmp9, $4  }
0x265: {  	s0 =	sadd.s32 s30, s9;
	v63 =	vmul.f32 $1.131370830e+01, v4;
	[tilespmem:s2+$0xF0] =	vst v61  }
0x266: {  	s0 =	sshrl.u32 s0, $0x3;
	[tilespmem:s2+$0x170] =	vst v62  }
0x267: {  	s0 =	sadd.s32 s3, s0;
	[tilespmem:s2+$0xFFFFFE70] =	vst v63  }
0x268: {  	[hbm4b:s0+s4] =	stream.linear.scatter [tilespmem:s23], [sflag:$0x6], $0x4000, $0x38;
	[tilespmem:$0x1E400] =	vst v63  }
.Ltmp10:
0x269: {  	(pc) =	sbr.rel .LBB2_2-.Ltmp10, $4  }
0x26a: {  	s0 =	sshll.u32 s29, $0x9  }
0x26b: {  	s0 =	sand.u32 $0x3FFFFE00, s0  }
0x26c: {  	s29 =	sadd.s32 $0x1, s29;
	s0 =	sadd.s32 $0x380, s0  }
0x26d: {  	[tilespmem:s18], [sflag:$0x4] =	stream.indirect.gather [hbm4b:s1+s12], $0x80, s0, s12, $0xb8;
	[tilespmem:$0x1E400] =	vst v63  }
.LBB2_17:
0x26e: {  	_ =	sfence.sel $0x180000  }
0x26f: {  	[bflag:$0x0] =	sbarrier.arrive $0xFFFF  }
0x270: {  	_ =	strace $0x90000047  }
0x271: {  	s0 =	stileid.u32;
	[bflag:$0x2] =	sbarrier.arrive $0xFFFF  }
0x272: {  	p0 =	sne.s32 s0, $0x0;
	s0 =	rddreg [dreg:$0x3]  }
0x273: {  	s0 =	sadd.s32 @!p0 $0x100000, s0  }
0x274: {  	[sflag:s0] =	ssyncadd.tile.s32 @!p0 $0x1;
	_ =	shalt  }
.Lfunc_end2:
_tile_overlayer_lowered:
.L_overlay_start_2:
0x275: {  	(tag) =	ssettag $0x2  }
0x276: {  	s0 =	rddreg [dreg:$0x0];
	s2 =	stileid.u32  }
0x277: {  	s1 =	rddreg [dreg:$0x1];
	p0 =	sne.s32 s2, $0x0  }
0x278: {  	s3 =	rddreg [dreg:$0x2];
	[bflag:$0x3] =	sbarrier.arrive $0xFFFF;
	s2 =	simm.s32 @!p0 $0x1C07  }
0x279: {  	[timem:s3], [sflag:s2] =	dma.local @!p0 [hbm:s0], s1  }
0x27a: {  	s0 =	simm.s32 @!p0 $0x7  }
0x27b: {  	_ =	swait.ge @!p0 [sflag:s0], s1  }
0x27c: {  	s1 =	ssub.s32 @!p0 $0x0, s1;
	[sflag:s0] =	ssyncset.done @!p0 $0x0  }
0x27d: {  	[sflag:s0] =	ssyncadd.s32 @!p0 s1  }
0x27e: {  	[bflag:$0x3] =	sbarrier.arrive $0xFFFF  }
0x27f: {  	_ =	shalt  }

</sc_bundles>
